<compile_context>
chip_gen: v7x
topology: tpu7x:2x2x1
jax: 0.10.2.dev20260603
libtpu: 0.0.44.dev20260713+nightly
codegen_flags: <defaults>
</compile_context>

<pallas_src>
import functools

import jax
import jax.numpy as jnp
from jax import lax
from jax.experimental import pallas as pl
from jax.experimental.pallas import tpu as pltpu
from jax.experimental.pallas import tpu_sc as plsc

NC = 2
NS = 16
NW = NC * NS
CH = 128


def _sc_mesh():
  return plsc.VectorSubcoreMesh(
      core_axis_name="c", subcore_axis_name="s", num_cores=NC, num_subcores=NS)


def _make_deg(n, n_pad, e):
  epw = e // NW

  @functools.partial(
      pl.kernel,
      out_type=jax.ShapeDtypeStruct((NW * n_pad,), jnp.float32),
      mesh=_sc_mesh(),
      compiler_params=pltpu.CompilerParams(
          needs_layout_passes=False, use_tc_tiling_on_sc=False),
      scratch_types=[
          pltpu.VMEM((n_pad,), jnp.float32),
          pltpu.VMEM((epw,), jnp.int32),
      ],
  )
  def deg_kernel(ei_hbm, out_hbm, deg_v, dst_v):
    c = lax.axis_index("c")
    s = lax.axis_index("s")
    w = s * NC + c

    zeros16 = jnp.zeros((16,), jnp.float32)

    def zero_body(i, carry):
      deg_v[pl.ds(i * 16, 16)] = zeros16
      return carry

    lax.fori_loop(0, n_pad // 16, zero_body, 0)

    pltpu.sync_copy(ei_hbm.at[1, pl.ds(w * epw, epw)], dst_v)

    ones16 = jnp.ones((16,), jnp.float32)

    def body(i, carry):
      idx = dst_v[pl.ds(i * 16, 16)]
      plsc.addupdate_scatter(deg_v, [idx], ones16)
      return carry

    lax.fori_loop(0, epw // 16, body, 0)
    pltpu.sync_copy(deg_v, out_hbm.at[pl.ds(w * n_pad, n_pad)])

  return deg_kernel


def _make_agg(n, n_pad, e, d, ch, nbuf):
  epw = e // NW
  nchunk = epw // ch
  ngroup = nchunk // nbuf
  rows_per_tile = n_pad // NS

  @functools.partial(
      pl.kernel,
      out_type=jax.ShapeDtypeStruct((NC, n_pad, d), jnp.float32),
      mesh=_sc_mesh(),
      compiler_params=pltpu.CompilerParams(
          needs_layout_passes=False, use_tc_tiling_on_sc=False),
      scratch_types=[
          pltpu.VMEM((nchunk, ch), jnp.int32),
          pltpu.VMEM((nchunk, ch), jnp.int32),
          [pltpu.VMEM((ch, d), jnp.float32) for _ in range(nbuf)],
          pltpu.VMEM_SHARED((n_pad, d), jnp.float32),
          [pltpu.SemaphoreType.DMA for _ in range(nbuf)],
      ],
  )
  def agg_kernel(h_hbm, ei4_hbm, zeros_hbm, out_hbm, src_v, dst_v,
                 rows, acc_sh, sems):
    c = lax.axis_index("c")
    s = lax.axis_index("s")
    w = s * NC + c
    r0 = s * rows_per_tile

    pltpu.sync_copy(ei4_hbm.at[0, w], src_v)
    pltpu.sync_copy(ei4_hbm.at[1, w], dst_v)

    pltpu.sync_copy(zeros_hbm.at[pl.ds(r0, rows_per_tile)],
                    acc_sh.at[pl.ds(r0, rows_per_tile)])
    plsc.subcore_barrier()

    for b in range(nbuf):
      pltpu.async_copy(h_hbm.at[src_v.at[b]], rows[b], sems[b])

    def group(g, carry):
      chunk0 = g * nbuf
      for b in range(nbuf):
        chunk = chunk0 + b
        pltpu.make_async_copy(h_hbm.at[src_v.at[chunk]], rows[b],
                              sems[b]).wait()
        pltpu.sync_copy(rows[b], acc_sh.at[dst_v.at[chunk]], add=True)
        nxt = chunk + nbuf

        @pl.when(nxt < nchunk)
        def _():
          pltpu.async_copy(h_hbm.at[src_v.at[nxt]], rows[b], sems[b])

      return carry

    lax.fori_loop(0, ngroup, group, 0)

    plsc.subcore_barrier()
    pltpu.sync_copy(acc_sh.at[pl.ds(r0, rows_per_tile)],
                    out_hbm.at[c, pl.ds(r0, rows_per_tile)])

  return agg_kernel


def _dis_from_parts(degp_t):
  deg = jnp.sum(degp_t, axis=1)
  return jnp.where(deg > 0.0, lax.rsqrt(deg), 0.0)


def _make_h1s(n, d_in, d_h, blk):
  def body(x_ref, w_ref, degp_ref, o_ref):
    dis = _dis_from_parts(degp_ref[...])
    h = jnp.dot(x_ref[...], w_ref[...], preferred_element_type=jnp.float32)
    o_ref[...] = h * dis[:, None]

  return pl.pallas_call(
      body,
      grid=(n // blk,),
      in_specs=[
          pl.BlockSpec((blk, d_in), lambda i: (i, 0)),
          pl.BlockSpec((d_in, d_h), lambda i: (0, 0)),
          pl.BlockSpec((blk, NW), lambda i: (i, 0)),
      ],
      out_specs=pl.BlockSpec((blk, d_h), lambda i: (i, 0)),
      out_shape=jax.ShapeDtypeStruct((n, d_h), jnp.float32),
  )


def _make_h2s(n_pad, d_h, d_out, blk):
  def body(agg_ref, degp_ref, b_ref, w_ref, o_ref):
    dis = _dis_from_parts(degp_ref[...])
    a = agg_ref[...]
    t = (a[0] + a[1]) * dis[:, None] + b_ref[...]
    h1 = jnp.maximum(t, 0.0)
    h2 = jnp.dot(h1, w_ref[...], preferred_element_type=jnp.float32)
    o_ref[...] = h2 * dis[:, None]

  return pl.pallas_call(
      body,
      grid=(n_pad // blk,),
      in_specs=[
          pl.BlockSpec((NC, blk, d_h), lambda i: (0, i, 0)),
          pl.BlockSpec((blk, NW), lambda i: (i, 0)),
          pl.BlockSpec((1, d_h), lambda i: (0, 0)),
          pl.BlockSpec((d_h, d_out), lambda i: (0, 0)),
      ],
      out_specs=pl.BlockSpec((blk, d_out), lambda i: (i, 0)),
      out_shape=jax.ShapeDtypeStruct((n_pad, d_out), jnp.float32),
  )


def _make_softmax_out(n, d_out, blk):
  def body(agg_ref, degp_ref, b_ref, o_ref):
    dis = _dis_from_parts(degp_ref[...])
    a = agg_ref[...]
    t = (a[0] + a[1]) * dis[:, None] + b_ref[...]
    m = jnp.max(t, axis=1, keepdims=True)
    ex = jnp.exp(t - m)
    o_ref[...] = ex / jnp.sum(ex, axis=1, keepdims=True)

  return pl.pallas_call(
      body,
      grid=(n // blk,),
      in_specs=[
          pl.BlockSpec((NC, blk, d_out), lambda i: (0, i, 0)),
          pl.BlockSpec((blk, NW), lambda i: (i, 0)),
          pl.BlockSpec((1, d_out), lambda i: (0, 0)),
      ],
      out_specs=pl.BlockSpec((blk, d_out), lambda i: (i, 0)),
      out_shape=jax.ShapeDtypeStruct((n, d_out), jnp.float32),
  )


def kernel(x, edge_indices, W1, b1, W2, b2):
  n, d_in = x.shape
  e = edge_indices.shape[1]
  d_h = W1.shape[1]
  d_out = W2.shape[1]
  blk = 2000

  n_pad = ((n + 8 * NS - 1) // (8 * NS)) * (8 * NS)
  blk2 = n_pad // 4

  ch = 125
  epw = e // NW
  nchunk = epw // ch

  ei = edge_indices.astype(jnp.int32)
  ei4 = ei.reshape(2, NW, nchunk, ch)
  zeros_h = jnp.zeros((n_pad, d_h), jnp.float32)

  deg_parts = _make_deg(n, n_pad, e)(ei)
  degp_t = deg_parts.reshape(NW, n_pad).T
  agg = _make_agg(n, n_pad, e, d_h, ch, 8)
  h1s = _make_h1s(n, d_in, d_h, blk)(x, W1, degp_t)
  agg1 = agg(h1s, ei4, zeros_h)
  h2s = _make_h2s(n_pad, d_h, d_out, blk2)(agg1, degp_t, b1.reshape(1, d_h),
                                           W2)
  agg2 = agg(h2s, ei4, zeros_h)
  return _make_softmax_out(n, d_out, blk)(agg2, degp_t, b2.reshape(1, d_out))

# --- scband reference (transcript-rebuilt; emitter-appended) ---
"""Pipeline reference for scband-pure-neighbor-gcn-58506044506627 (READ-ONLY COPY).

The authoritative reference and input builder live on the scoring server;
editing this copy changes nothing except your own understanding.
"""

import jax, jax.numpy as jnp
import numpy as np

N = 10000
E = 320000
D_IN, D_H, D_OUT = 128, 64, 64


def setup_inputs(seed: int = 0) -> dict:
    key = jax.random.key(seed)
    ks = jax.random.split(key, 6)
    x = jax.random.normal(ks[0], (N, D_IN), dtype=jnp.float32)
    edge_indices = jax.random.randint(ks[1], (2, E), 0, N)
    W1 = jax.random.normal(ks[2], (D_IN, D_H), dtype=jnp.float32) * (1.0 / np.sqrt(D_IN))
    b1 = jnp.zeros((D_H,), dtype=jnp.float32)
    W2 = jax.random.normal(ks[3], (D_H, D_OUT), dtype=jnp.float32) * (1.0 / np.sqrt(D_H))
    b2 = jnp.zeros((D_OUT,), dtype=jnp.float32)
    return {"x": x, "edge_indices": edge_indices, "W1": W1, "b1": b1, "W2": W2, "b2": b2}


def _gcn_conv(x, W, b, src, dst):
    # PyG GCNConv with add_self_loops=False, symmetric gcn_norm.
    # deg computed over destination (col) with unit edge weights.
    deg = jnp.zeros((N,), dtype=jnp.float32).at[dst].add(1.0)
    deg_inv_sqrt = jnp.where(deg > 0, deg ** -0.5, 0.0)
    norm = deg_inv_sqrt[src] * deg_inv_sqrt[dst]
    h = x @ W
    msg = jnp.take(h, src, axis=0) * norm[:, None]
    out = jnp.zeros((N, W.shape[1]), dtype=jnp.float32).at[dst].add(msg)
    return out + b


def reference(x, edge_indices, W1, b1, W2, b2):
    src = edge_indices[0]
    dst = edge_indices[1]
    h = x  # x.clone() is a no-op functionally in jax
    h1 = jax.nn.relu(_gcn_conv(h, W1, b1, src, dst))
    h2 = _gcn_conv(h1, W2, b2, src, dst)
    return jax.nn.softmax(h2, axis=1)

if __name__ == "__main__":
    import jax
    _d = setup_inputs()
    print(jax.jit(kernel)(*tuple(_d.values())))

</pallas_src>

<mosaic_0001>
#map = affine_map<(d0, d1) -> (0, 0)>
#map1 = affine_map<(d0, d1) -> (0, 0, 0, 0)>
#map2 = affine_map<(d0, d1) -> (0, 0, 0)>
module attributes {stable_mosaic.version = 14 : i64} {
  func.func @agg_kernel(%arg0: i32, %arg1: i32, %arg2: memref<10112x64xf32, #tpu.memory_space<hbm>>, %arg3: memref<2x32x80x125xi32, #tpu.memory_space<hbm>>, %arg4: memref<10112x64xf32, #tpu.memory_space<hbm>>, %arg5: memref<2x10112x64xf32, #tpu.memory_space<hbm>>, %arg6: memref<80x125xi32, #tpu.memory_space<vmem>>, %arg7: memref<80x125xi32, #tpu.memory_space<vmem>>, %arg8: memref<125x64xf32, #tpu.memory_space<vmem>>, %arg9: memref<125x64xf32, #tpu.memory_space<vmem>>, %arg10: memref<125x64xf32, #tpu.memory_space<vmem>>, %arg11: memref<125x64xf32, #tpu.memory_space<vmem>>, %arg12: memref<125x64xf32, #tpu.memory_space<vmem>>, %arg13: memref<125x64xf32, #tpu.memory_space<vmem>>, %arg14: memref<125x64xf32, #tpu.memory_space<vmem>>, %arg15: memref<125x64xf32, #tpu.memory_space<vmem>>, %arg16: memref<10112x64xf32, #tpu.memory_space<vmem_shared>>, %arg17: memref<!tpu.dma_semaphore, #tpu.memory_space<semaphore_mem>>, %arg18: memref<!tpu.dma_semaphore, #tpu.memory_space<semaphore_mem>>, %arg19: memref<!tpu.dma_semaphore, #tpu.memory_space<semaphore_mem>>, %arg20: memref<!tpu.dma_semaphore, #tpu.memory_space<semaphore_mem>>, %arg21: memref<!tpu.dma_semaphore, #tpu.memory_space<semaphore_mem>>, %arg22: memref<!tpu.dma_semaphore, #tpu.memory_space<semaphore_mem>>, %arg23: memref<!tpu.dma_semaphore, #tpu.memory_space<semaphore_mem>>, %arg24: memref<!tpu.dma_semaphore, #tpu.memory_space<semaphore_mem>>) attributes {dimension_semantics = [#tpu.dimension_semantics<core_parallel>, #tpu.dimension_semantics<subcore_parallel>], iteration_bounds = array<i64: 2, 16>, scalar_prefetch = 0 : i64, scratch_operands = 19 : i64, tpu.core_type = #tpu.core_type<sc_vector_subcore>, window_params = [{transform_indices = #map}, {transform_indices = #map1}, {transform_indices = #map}, {transform_indices = #map2}]} {
    %mul3A = arith.constant 2 : i32
    %mul3A_0 = arith.muli %arg1, %mul3A : i32
    %add3A = arith.addi %mul3A_0, %arg0 : i32
    %mul3A_1 = arith.constant 632 : i32
    %mul3A_2 = arith.muli %arg1, %mul3A_1 : i32
    %run_scoped3A = arith.constant 0 : i32
    "tpu.region"() ({
      %run_scoped3A_65 = tpu.sem_alloc : memref<!tpu.dma_semaphore, #tpu.memory_space<semaphore_mem>>
      %dma_start3A_66 = arith.constant 0 : i32
      %dma_start3A_67 = arith.constant 0 : i32
      %dma_start3A_68 = tpu.memref_slice %arg3[%run_scoped3A, %add3A, %dma_start3A_66, %dma_start3A_67] : memref<2x32x80x125xi32, #tpu.memory_space<hbm>> -> memref<1x1x80x125xi32, #tpu.memory_space<hbm>>
      %dma_start3A_69 = tpu.memref_squeeze %dma_start3A_68 : memref<1x1x80x125xi32, #tpu.memory_space<hbm>> -> memref<80x125xi32, #tpu.memory_space<hbm>>
      %dma_start3A_70 = arith.constant 0 : i32
      %dma_start3A_71 = arith.constant 0 : i32
      %dma_start3A_72 = tpu.memref_slice %arg3[%run_scoped3A, %add3A, %dma_start3A_70, %dma_start3A_71] : memref<2x32x80x125xi32, #tpu.memory_space<hbm>> -> memref<1x1x80x125xi32, #tpu.memory_space<hbm>>
      %dma_start3A_73 = tpu.memref_squeeze %dma_start3A_72 : memref<1x1x80x125xi32, #tpu.memory_space<hbm>> -> memref<80x125xi32, #tpu.memory_space<hbm>>
      tpu.enqueue_dma source(%dma_start3A_73 : memref<80x125xi32, #tpu.memory_space<hbm>>) target(%arg6 : memref<80x125xi32, #tpu.memory_space<vmem>>) target_semaphore(%run_scoped3A_65 : memref<!tpu.dma_semaphore, #tpu.memory_space<semaphore_mem>>)
      %dma_wait3A = arith.constant 0 : i32
      %dma_wait3A_74 = arith.constant 0 : i32
      %dma_wait3A_75 = tpu.memref_slice %arg3[%run_scoped3A, %add3A, %dma_wait3A, %dma_wait3A_74] : memref<2x32x80x125xi32, #tpu.memory_space<hbm>> -> memref<1x1x80x125xi32, #tpu.memory_space<hbm>>
      %dma_wait3A_76 = tpu.memref_squeeze %dma_wait3A_75 : memref<1x1x80x125xi32, #tpu.memory_space<hbm>> -> memref<80x125xi32, #tpu.memory_space<hbm>>
      %dma_wait3A_77 = arith.constant 0 : i32
      %dma_wait3A_78 = arith.constant 0 : i32
      %dma_wait3A_79 = tpu.memref_slice %arg3[%run_scoped3A, %add3A, %dma_wait3A_77, %dma_wait3A_78] : memref<2x32x80x125xi32, #tpu.memory_space<hbm>> -> memref<1x1x80x125xi32, #tpu.memory_space<hbm>>
      %dma_wait3A_80 = tpu.memref_squeeze %dma_wait3A_79 : memref<1x1x80x125xi32, #tpu.memory_space<hbm>> -> memref<80x125xi32, #tpu.memory_space<hbm>>
      tpu.wait_dma2 semaphore(%run_scoped3A_65 : memref<!tpu.dma_semaphore, #tpu.memory_space<semaphore_mem>>) src(%dma_wait3A_80 : memref<80x125xi32, #tpu.memory_space<hbm>>) dst(%arg6 : memref<80x125xi32, #tpu.memory_space<vmem>>)
      tpu.yield
    }) : () -> ()
    %run_scoped3A_3 = arith.constant 1 : i32
    "tpu.region"() ({
      %run_scoped3A_65 = tpu.sem_alloc : memref<!tpu.dma_semaphore, #tpu.memory_space<semaphore_mem>>
      %dma_start3A_66 = arith.constant 0 : i32
      %dma_start3A_67 = arith.constant 0 : i32
      %dma_start3A_68 = tpu.memref_slice %arg3[%run_scoped3A_3, %add3A, %dma_start3A_66, %dma_start3A_67] : memref<2x32x80x125xi32, #tpu.memory_space<hbm>> -> memref<1x1x80x125xi32, #tpu.memory_space<hbm>>
      %dma_start3A_69 = tpu.memref_squeeze %dma_start3A_68 : memref<1x1x80x125xi32, #tpu.memory_space<hbm>> -> memref<80x125xi32, #tpu.memory_space<hbm>>
      %dma_start3A_70 = arith.constant 0 : i32
      %dma_start3A_71 = arith.constant 0 : i32
      %dma_start3A_72 = tpu.memref_slice %arg3[%run_scoped3A_3, %add3A, %dma_start3A_70, %dma_start3A_71] : memref<2x32x80x125xi32, #tpu.memory_space<hbm>> -> memref<1x1x80x125xi32, #tpu.memory_space<hbm>>
      %dma_start3A_73 = tpu.memref_squeeze %dma_start3A_72 : memref<1x1x80x125xi32, #tpu.memory_space<hbm>> -> memref<80x125xi32, #tpu.memory_space<hbm>>
      tpu.enqueue_dma source(%dma_start3A_73 : memref<80x125xi32, #tpu.memory_space<hbm>>) target(%arg7 : memref<80x125xi32, #tpu.memory_space<vmem>>) target_semaphore(%run_scoped3A_65 : memref<!tpu.dma_semaphore, #tpu.memory_space<semaphore_mem>>)
      %dma_wait3A = arith.constant 0 : i32
      %dma_wait3A_74 = arith.constant 0 : i32
      %dma_wait3A_75 = tpu.memref_slice %arg3[%run_scoped3A_3, %add3A, %dma_wait3A, %dma_wait3A_74] : memref<2x32x80x125xi32, #tpu.memory_space<hbm>> -> memref<1x1x80x125xi32, #tpu.memory_space<hbm>>
      %dma_wait3A_76 = tpu.memref_squeeze %dma_wait3A_75 : memref<1x1x80x125xi32, #tpu.memory_space<hbm>> -> memref<80x125xi32, #tpu.memory_space<hbm>>
      %dma_wait3A_77 = arith.constant 0 : i32
      %dma_wait3A_78 = arith.constant 0 : i32
      %dma_wait3A_79 = tpu.memref_slice %arg3[%run_scoped3A_3, %add3A, %dma_wait3A_77, %dma_wait3A_78] : memref<2x32x80x125xi32, #tpu.memory_space<hbm>> -> memref<1x1x80x125xi32, #tpu.memory_space<hbm>>
      %dma_wait3A_80 = tpu.memref_squeeze %dma_wait3A_79 : memref<1x1x80x125xi32, #tpu.memory_space<hbm>> -> memref<80x125xi32, #tpu.memory_space<hbm>>
      tpu.wait_dma2 semaphore(%run_scoped3A_65 : memref<!tpu.dma_semaphore, #tpu.memory_space<semaphore_mem>>) src(%dma_wait3A_80 : memref<80x125xi32, #tpu.memory_space<hbm>>) dst(%arg7 : memref<80x125xi32, #tpu.memory_space<vmem>>)
      tpu.yield
    }) : () -> ()
    "tpu.region"() ({
      %run_scoped3A_65 = tpu.sem_alloc : memref<!tpu.dma_semaphore, #tpu.memory_space<semaphore_mem>>
      %dma_start3A_66 = arith.constant 0 : i32
      %dma_start3A_67 = tpu.memref_slice %arg16[%mul3A_2, %dma_start3A_66] : memref<10112x64xf32, #tpu.memory_space<vmem_shared>> -> memref<632x64xf32, #tpu.memory_space<vmem_shared>>
      %dma_start3A_68 = arith.constant 0 : i32
      %dma_start3A_69 = tpu.memref_slice %arg4[%mul3A_2, %dma_start3A_68] : memref<10112x64xf32, #tpu.memory_space<hbm>> -> memref<632x64xf32, #tpu.memory_space<hbm>>
      tpu.enqueue_dma source(%dma_start3A_69 : memref<632x64xf32, #tpu.memory_space<hbm>>) target(%dma_start3A_67 : memref<632x64xf32, #tpu.memory_space<vmem_shared>>) target_semaphore(%run_scoped3A_65 : memref<!tpu.dma_semaphore, #tpu.memory_space<semaphore_mem>>)
      %dma_wait3A = arith.constant 0 : i32
      %dma_wait3A_70 = tpu.memref_slice %arg16[%mul3A_2, %dma_wait3A] : memref<10112x64xf32, #tpu.memory_space<vmem_shared>> -> memref<632x64xf32, #tpu.memory_space<vmem_shared>>
      %dma_wait3A_71 = arith.constant 0 : i32
      %dma_wait3A_72 = tpu.memref_slice %arg4[%mul3A_2, %dma_wait3A_71] : memref<10112x64xf32, #tpu.memory_space<hbm>> -> memref<632x64xf32, #tpu.memory_space<hbm>>
      tpu.wait_dma2 semaphore(%run_scoped3A_65 : memref<!tpu.dma_semaphore, #tpu.memory_space<semaphore_mem>>) src(%dma_wait3A_72 : memref<632x64xf32, #tpu.memory_space<hbm>>) dst(%dma_wait3A_70 : memref<632x64xf32, #tpu.memory_space<vmem_shared>>)
      tpu.yield
    }) : () -> ()
    %barrier3A = arith.constant 0 : index
    tpu.barrier barrier_id(%barrier3A)
    %dma_start3A = arith.constant 0 : i32
    %dma_start3A_4 = arith.constant 0 : i32
    %dma_start3A_5 = tpu.memref_slice %arg6[%dma_start3A, %dma_start3A_4] : memref<80x125xi32, #tpu.memory_space<vmem>> -> memref<1x125xi32, #tpu.memory_space<vmem>>
    %dma_start3A_6 = tpu.memref_squeeze %dma_start3A_5 : memref<1x125xi32, #tpu.memory_space<vmem>> -> memref<125xi32, #tpu.memory_space<vmem>>
    %dma_start3A_7 = arith.constant 0 : i32
    %dma_start3A_8 = arith.constant 0 : i32
    %dma_start3A_9 = tpu.memref_slice %arg2[%dma_start3A_7, %dma_start3A_8] : memref<10112x64xf32, #tpu.memory_space<hbm>> -> memref<10112x64xf32, #tpu.memory_space<hbm>>
    tpu.enqueue_indirect_dma source(%dma_start3A_9 : memref<10112x64xf32, #tpu.memory_space<hbm>>) target(%arg8 : memref<125x64xf32, #tpu.memory_space<vmem>>) offsets(%dma_start3A_6 : memref<125xi32, #tpu.memory_space<vmem>>) semaphore(%arg17 : memref<!tpu.dma_semaphore, #tpu.memory_space<semaphore_mem>>)
    %dma_start3A_10 = arith.constant 1 : i32
    %dma_start3A_11 = arith.constant 0 : i32
    %dma_start3A_12 = tpu.memref_slice %arg6[%dma_start3A_10, %dma_start3A_11] : memref<80x125xi32, #tpu.memory_space<vmem>> -> memref<1x125xi32, #tpu.memory_space<vmem>>
    %dma_start3A_13 = tpu.memref_squeeze %dma_start3A_12 : memref<1x125xi32, #tpu.memory_space<vmem>> -> memref<125xi32, #tpu.memory_space<vmem>>
    %dma_start3A_14 = arith.constant 0 : i32
    %dma_start3A_15 = arith.constant 0 : i32
    %dma_start3A_16 = tpu.memref_slice %arg2[%dma_start3A_14, %dma_start3A_15] : memref<10112x64xf32, #tpu.memory_space<hbm>> -> memref<10112x64xf32, #tpu.memory_space<hbm>>
    tpu.enqueue_indirect_dma source(%dma_start3A_16 : memref<10112x64xf32, #tpu.memory_space<hbm>>) target(%arg9 : memref<125x64xf32, #tpu.memory_space<vmem>>) offsets(%dma_start3A_13 : memref<125xi32, #tpu.memory_space<vmem>>) semaphore(%arg18 : memref<!tpu.dma_semaphore, #tpu.memory_space<semaphore_mem>>)
    %dma_start3A_17 = arith.constant 2 : i32
    %dma_start3A_18 = arith.constant 0 : i32
    %dma_start3A_19 = tpu.memref_slice %arg6[%dma_start3A_17, %dma_start3A_18] : memref<80x125xi32, #tpu.memory_space<vmem>> -> memref<1x125xi32, #tpu.memory_space<vmem>>
    %dma_start3A_20 = tpu.memref_squeeze %dma_start3A_19 : memref<1x125xi32, #tpu.memory_space<vmem>> -> memref<125xi32, #tpu.memory_space<vmem>>
    %dma_start3A_21 = arith.constant 0 : i32
    %dma_start3A_22 = arith.constant 0 : i32
    %dma_start3A_23 = tpu.memref_slice %arg2[%dma_start3A_21, %dma_start3A_22] : memref<10112x64xf32, #tpu.memory_space<hbm>> -> memref<10112x64xf32, #tpu.memory_space<hbm>>
    tpu.enqueue_indirect_dma source(%dma_start3A_23 : memref<10112x64xf32, #tpu.memory_space<hbm>>) target(%arg10 : memref<125x64xf32, #tpu.memory_space<vmem>>) offsets(%dma_start3A_20 : memref<125xi32, #tpu.memory_space<vmem>>) semaphore(%arg19 : memref<!tpu.dma_semaphore, #tpu.memory_space<semaphore_mem>>)
    %dma_start3A_24 = arith.constant 3 : i32
    %dma_start3A_25 = arith.constant 0 : i32
    %dma_start3A_26 = tpu.memref_slice %arg6[%dma_start3A_24, %dma_start3A_25] : memref<80x125xi32, #tpu.memory_space<vmem>> -> memref<1x125xi32, #tpu.memory_space<vmem>>
    %dma_start3A_27 = tpu.memref_squeeze %dma_start3A_26 : memref<1x125xi32, #tpu.memory_space<vmem>> -> memref<125xi32, #tpu.memory_space<vmem>>
    %dma_start3A_28 = arith.constant 0 : i32
    %dma_start3A_29 = arith.constant 0 : i32
    %dma_start3A_30 = tpu.memref_slice %arg2[%dma_start3A_28, %dma_start3A_29] : memref<10112x64xf32, #tpu.memory_space<hbm>> -> memref<10112x64xf32, #tpu.memory_space<hbm>>
    tpu.enqueue_indirect_dma source(%dma_start3A_30 : memref<10112x64xf32, #tpu.memory_space<hbm>>) target(%arg11 : memref<125x64xf32, #tpu.memory_space<vmem>>) offsets(%dma_start3A_27 : memref<125xi32, #tpu.memory_space<vmem>>) semaphore(%arg20 : memref<!tpu.dma_semaphore, #tpu.memory_space<semaphore_mem>>)
    %dma_start3A_31 = arith.constant 4 : i32
    %dma_start3A_32 = arith.constant 0 : i32
    %dma_start3A_33 = tpu.memref_slice %arg6[%dma_start3A_31, %dma_start3A_32] : memref<80x125xi32, #tpu.memory_space<vmem>> -> memref<1x125xi32, #tpu.memory_space<vmem>>
    %dma_start3A_34 = tpu.memref_squeeze %dma_start3A_33 : memref<1x125xi32, #tpu.memory_space<vmem>> -> memref<125xi32, #tpu.memory_space<vmem>>
    %dma_start3A_35 = arith.constant 0 : i32
    %dma_start3A_36 = arith.constant 0 : i32
    %dma_start3A_37 = tpu.memref_slice %arg2[%dma_start3A_35, %dma_start3A_36] : memref<10112x64xf32, #tpu.memory_space<hbm>> -> memref<10112x64xf32, #tpu.memory_space<hbm>>
    tpu.enqueue_indirect_dma source(%dma_start3A_37 : memref<10112x64xf32, #tpu.memory_space<hbm>>) target(%arg12 : memref<125x64xf32, #tpu.memory_space<vmem>>) offsets(%dma_start3A_34 : memref<125xi32, #tpu.memory_space<vmem>>) semaphore(%arg21 : memref<!tpu.dma_semaphore, #tpu.memory_space<semaphore_mem>>)
    %dma_start3A_38 = arith.constant 5 : i32
    %dma_start3A_39 = arith.constant 0 : i32
    %dma_start3A_40 = tpu.memref_slice %arg6[%dma_start3A_38, %dma_start3A_39] : memref<80x125xi32, #tpu.memory_space<vmem>> -> memref<1x125xi32, #tpu.memory_space<vmem>>
    %dma_start3A_41 = tpu.memref_squeeze %dma_start3A_40 : memref<1x125xi32, #tpu.memory_space<vmem>> -> memref<125xi32, #tpu.memory_space<vmem>>
    %dma_start3A_42 = arith.constant 0 : i32
    %dma_start3A_43 = arith.constant 0 : i32
    %dma_start3A_44 = tpu.memref_slice %arg2[%dma_start3A_42, %dma_start3A_43] : memref<10112x64xf32, #tpu.memory_space<hbm>> -> memref<10112x64xf32, #tpu.memory_space<hbm>>
    tpu.enqueue_indirect_dma source(%dma_start3A_44 : memref<10112x64xf32, #tpu.memory_space<hbm>>) target(%arg13 : memref<125x64xf32, #tpu.memory_space<vmem>>) offsets(%dma_start3A_41 : memref<125xi32, #tpu.memory_space<vmem>>) semaphore(%arg22 : memref<!tpu.dma_semaphore, #tpu.memory_space<semaphore_mem>>)
    %dma_start3A_45 = arith.constant 6 : i32
    %dma_start3A_46 = arith.constant 0 : i32
    %dma_start3A_47 = tpu.memref_slice %arg6[%dma_start3A_45, %dma_start3A_46] : memref<80x125xi32, #tpu.memory_space<vmem>> -> memref<1x125xi32, #tpu.memory_space<vmem>>
    %dma_start3A_48 = tpu.memref_squeeze %dma_start3A_47 : memref<1x125xi32, #tpu.memory_space<vmem>> -> memref<125xi32, #tpu.memory_space<vmem>>
    %dma_start3A_49 = arith.constant 0 : i32
    %dma_start3A_50 = arith.constant 0 : i32
    %dma_start3A_51 = tpu.memref_slice %arg2[%dma_start3A_49, %dma_start3A_50] : memref<10112x64xf32, #tpu.memory_space<hbm>> -> memref<10112x64xf32, #tpu.memory_space<hbm>>
    tpu.enqueue_indirect_dma source(%dma_start3A_51 : memref<10112x64xf32, #tpu.memory_space<hbm>>) target(%arg14 : memref<125x64xf32, #tpu.memory_space<vmem>>) offsets(%dma_start3A_48 : memref<125xi32, #tpu.memory_space<vmem>>) semaphore(%arg23 : memref<!tpu.dma_semaphore, #tpu.memory_space<semaphore_mem>>)
    %dma_start3A_52 = arith.constant 7 : i32
    %dma_start3A_53 = arith.constant 0 : i32
    %dma_start3A_54 = tpu.memref_slice %arg6[%dma_start3A_52, %dma_start3A_53] : memref<80x125xi32, #tpu.memory_space<vmem>> -> memref<1x125xi32, #tpu.memory_space<vmem>>
    %dma_start3A_55 = tpu.memref_squeeze %dma_start3A_54 : memref<1x125xi32, #tpu.memory_space<vmem>> -> memref<125xi32, #tpu.memory_space<vmem>>
    %dma_start3A_56 = arith.constant 0 : i32
    %dma_start3A_57 = arith.constant 0 : i32
    %dma_start3A_58 = tpu.memref_slice %arg2[%dma_start3A_56, %dma_start3A_57] : memref<10112x64xf32, #tpu.memory_space<hbm>> -> memref<10112x64xf32, #tpu.memory_space<hbm>>
    tpu.enqueue_indirect_dma source(%dma_start3A_58 : memref<10112x64xf32, #tpu.memory_space<hbm>>) target(%arg15 : memref<125x64xf32, #tpu.memory_space<vmem>>) offsets(%dma_start3A_55 : memref<125xi32, #tpu.memory_space<vmem>>) semaphore(%arg24 : memref<!tpu.dma_semaphore, #tpu.memory_space<semaphore_mem>>)
    %scan3A = arith.constant 0 : i32
    %scan3A_59 = arith.constant 0 : i32
    %scan3A_60 = arith.constant 10 : i32
    %scan3A_61 = arith.addi %scan3A_59, %scan3A_60 : i32
    %scan3A_62 = arith.constant 1 : i32
    scf.for %scan3A_65 = %scan3A_59 to %scan3A_61 step %scan3A_62  : i32 {
      %mul3A_66 = arith.constant 8 : i32
      %mul3A_67 = arith.muli %scan3A_65, %mul3A_66 : i32
      %add3A_68 = arith.constant 0 : i32
      %add3A_69 = arith.addi %mul3A_67, %add3A_68 : i32
      %dma_wait3A = arith.constant 0 : i32
      %dma_wait3A_70 = tpu.memref_slice %arg6[%add3A_69, %dma_wait3A] : memref<80x125xi32, #tpu.memory_space<vmem>> -> memref<1x125xi32, #tpu.memory_space<vmem>>
      %dma_wait3A_71 = tpu.memref_squeeze %dma_wait3A_70 : memref<1x125xi32, #tpu.memory_space<vmem>> -> memref<125xi32, #tpu.memory_space<vmem>>
      %dma_wait3A_72 = arith.constant 0 : i32
      %dma_wait3A_73 = arith.constant 0 : i32
      %dma_wait3A_74 = tpu.memref_slice %arg2[%dma_wait3A_72, %dma_wait3A_73] : memref<10112x64xf32, #tpu.memory_space<hbm>> -> memref<10112x64xf32, #tpu.memory_space<hbm>>
      tpu.wait_indirect_dma semaphore(%arg17 : memref<!tpu.dma_semaphore, #tpu.memory_space<semaphore_mem>>) src(%dma_wait3A_74 : memref<10112x64xf32, #tpu.memory_space<hbm>>) dst(%arg8 : memref<125x64xf32, #tpu.memory_space<vmem>>)
      "tpu.region"() ({
        %run_scoped3A_184 = tpu.sem_alloc : memref<!tpu.dma_semaphore, #tpu.memory_space<semaphore_mem>>
        %dma_start3A_185 = arith.constant 0 : i32
        %dma_start3A_186 = tpu.memref_slice %arg7[%add3A_69, %dma_start3A_185] : memref<80x125xi32, #tpu.memory_space<vmem>> -> memref<1x125xi32, #tpu.memory_space<vmem>>
        %dma_start3A_187 = tpu.memref_squeeze %dma_start3A_186 : memref<1x125xi32, #tpu.memory_space<vmem>> -> memref<125xi32, #tpu.memory_space<vmem>>
        %dma_start3A_188 = arith.constant 0 : i32
        %dma_start3A_189 = arith.constant 0 : i32
        %dma_start3A_190 = tpu.memref_slice %arg16[%dma_start3A_188, %dma_start3A_189] : memref<10112x64xf32, #tpu.memory_space<vmem_shared>> -> memref<10112x64xf32, #tpu.memory_space<vmem_shared>>
        tpu.enqueue_indirect_dma source(%arg8 : memref<125x64xf32, #tpu.memory_space<vmem>>) target(%dma_start3A_190 : memref<10112x64xf32, #tpu.memory_space<vmem_shared>>) offsets(%dma_start3A_187 : memref<125xi32, #tpu.memory_space<vmem>>) semaphore(%run_scoped3A_184 : memref<!tpu.dma_semaphore, #tpu.memory_space<semaphore_mem>>) {add = true}
        %dma_wait3A_191 = arith.constant 0 : i32
        %dma_wait3A_192 = tpu.memref_slice %arg7[%add3A_69, %dma_wait3A_191] : memref<80x125xi32, #tpu.memory_space<vmem>> -> memref<1x125xi32, #tpu.memory_space<vmem>>
        %dma_wait3A_193 = tpu.memref_squeeze %dma_wait3A_192 : memref<1x125xi32, #tpu.memory_space<vmem>> -> memref<125xi32, #tpu.memory_space<vmem>>
        %dma_wait3A_194 = arith.constant 0 : i32
        %dma_wait3A_195 = arith.constant 0 : i32
        %dma_wait3A_196 = tpu.memref_slice %arg16[%dma_wait3A_194, %dma_wait3A_195] : memref<10112x64xf32, #tpu.memory_space<vmem_shared>> -> memref<10112x64xf32, #tpu.memory_space<vmem_shared>>
        tpu.wait_indirect_dma semaphore(%run_scoped3A_184 : memref<!tpu.dma_semaphore, #tpu.memory_space<semaphore_mem>>) src(%arg8 : memref<125x64xf32, #tpu.memory_space<vmem>>) dst(%dma_wait3A_196 : memref<10112x64xf32, #tpu.memory_space<vmem_shared>>)
        tpu.yield
      }) : () -> ()
      %add3A_75 = arith.constant 8 : i32
      %add3A_76 = arith.addi %add3A_69, %add3A_75 : i32
      %lt3A = arith.constant 80 : i32
      %lt3A_77 = arith.cmpi slt, %add3A_76, %lt3A : i32
      %convert_element_type3A = arith.extui %lt3A_77 : i1 to i32
      %cond3A = arith.constant 0 : i32
      %cond3A_78 = arith.cmpi ne, %convert_element_type3A, %cond3A : i32
      scf.if %cond3A_78 {
        %dma_start3A_184 = arith.constant 0 : i32
        %dma_start3A_185 = tpu.memref_slice %arg6[%add3A_76, %dma_start3A_184] : memref<80x125xi32, #tpu.memory_space<vmem>> -> memref<1x125xi32, #tpu.memory_space<vmem>>
        %dma_start3A_186 = tpu.memref_squeeze %dma_start3A_185 : memref<1x125xi32, #tpu.memory_space<vmem>> -> memref<125xi32, #tpu.memory_space<vmem>>
        %dma_start3A_187 = arith.constant 0 : i32
        %dma_start3A_188 = arith.constant 0 : i32
        %dma_start3A_189 = tpu.memref_slice %arg2[%dma_start3A_187, %dma_start3A_188] : memref<10112x64xf32, #tpu.memory_space<hbm>> -> memref<10112x64xf32, #tpu.memory_space<hbm>>
        tpu.enqueue_indirect_dma source(%dma_start3A_189 : memref<10112x64xf32, #tpu.memory_space<hbm>>) target(%arg8 : memref<125x64xf32, #tpu.memory_space<vmem>>) offsets(%dma_start3A_186 : memref<125xi32, #tpu.memory_space<vmem>>) semaphore(%arg17 : memref<!tpu.dma_semaphore, #tpu.memory_space<semaphore_mem>>)
      } else {
      }
      %add3A_79 = arith.constant 1 : i32
      %add3A_80 = arith.addi %mul3A_67, %add3A_79 : i32
      %dma_wait3A_81 = arith.constant 0 : i32
      %dma_wait3A_82 = tpu.memref_slice %arg6[%add3A_80, %dma_wait3A_81] : memref<80x125xi32, #tpu.memory_space<vmem>> -> memref<1x125xi32, #tpu.memory_space<vmem>>
      %dma_wait3A_83 = tpu.memref_squeeze %dma_wait3A_82 : memref<1x125xi32, #tpu.memory_space<vmem>> -> memref<125xi32, #tpu.memory_space<vmem>>
      %dma_wait3A_84 = arith.constant 0 : i32
      %dma_wait3A_85 = arith.constant 0 : i32
      %dma_wait3A_86 = tpu.memref_slice %arg2[%dma_wait3A_84, %dma_wait3A_85] : memref<10112x64xf32, #tpu.memory_space<hbm>> -> memref<10112x64xf32, #tpu.memory_space<hbm>>
      tpu.wait_indirect_dma semaphore(%arg18 : memref<!tpu.dma_semaphore, #tpu.memory_space<semaphore_mem>>) src(%dma_wait3A_86 : memref<10112x64xf32, #tpu.memory_space<hbm>>) dst(%arg9 : memref<125x64xf32, #tpu.memory_space<vmem>>)
      "tpu.region"() ({
        %run_scoped3A_184 = tpu.sem_alloc : memref<!tpu.dma_semaphore, #tpu.memory_space<semaphore_mem>>
        %dma_start3A_185 = arith.constant 0 : i32
        %dma_start3A_186 = tpu.memref_slice %arg7[%add3A_80, %dma_start3A_185] : memref<80x125xi32, #tpu.memory_space<vmem>> -> memref<1x125xi32, #tpu.memory_space<vmem>>
        %dma_start3A_187 = tpu.memref_squeeze %dma_start3A_186 : memref<1x125xi32, #tpu.memory_space<vmem>> -> memref<125xi32, #tpu.memory_space<vmem>>
        %dma_start3A_188 = arith.constant 0 : i32
        %dma_start3A_189 = arith.constant 0 : i32
        %dma_start3A_190 = tpu.memref_slice %arg16[%dma_start3A_188, %dma_start3A_189] : memref<10112x64xf32, #tpu.memory_space<vmem_shared>> -> memref<10112x64xf32, #tpu.memory_space<vmem_shared>>
        tpu.enqueue_indirect_dma source(%arg9 : memref<125x64xf32, #tpu.memory_space<vmem>>) target(%dma_start3A_190 : memref<10112x64xf32, #tpu.memory_space<vmem_shared>>) offsets(%dma_start3A_187 : memref<125xi32, #tpu.memory_space<vmem>>) semaphore(%run_scoped3A_184 : memref<!tpu.dma_semaphore, #tpu.memory_space<semaphore_mem>>) {add = true}
        %dma_wait3A_191 = arith.constant 0 : i32
        %dma_wait3A_192 = tpu.memref_slice %arg7[%add3A_80, %dma_wait3A_191] : memref<80x125xi32, #tpu.memory_space<vmem>> -> memref<1x125xi32, #tpu.memory_space<vmem>>
        %dma_wait3A_193 = tpu.memref_squeeze %dma_wait3A_192 : memref<1x125xi32, #tpu.memory_space<vmem>> -> memref<125xi32, #tpu.memory_space<vmem>>
        %dma_wait3A_194 = arith.constant 0 : i32
        %dma_wait3A_195 = arith.constant 0 : i32
        %dma_wait3A_196 = tpu.memref_slice %arg16[%dma_wait3A_194, %dma_wait3A_195] : memref<10112x64xf32, #tpu.memory_space<vmem_shared>> -> memref<10112x64xf32, #tpu.memory_space<vmem_shared>>
        tpu.wait_indirect_dma semaphore(%run_scoped3A_184 : memref<!tpu.dma_semaphore, #tpu.memory_space<semaphore_mem>>) src(%arg9 : memref<125x64xf32, #tpu.memory_space<vmem>>) dst(%dma_wait3A_196 : memref<10112x64xf32, #tpu.memory_space<vmem_shared>>)
        tpu.yield
      }) : () -> ()
      %add3A_87 = arith.constant 8 : i32
      %add3A_88 = arith.addi %add3A_80, %add3A_87 : i32
      %lt3A_89 = arith.constant 80 : i32
      %lt3A_90 = arith.cmpi slt, %add3A_88, %lt3A_89 : i32
      %convert_element_type3A_91 = arith.extui %lt3A_90 : i1 to i32
      %cond3A_92 = arith.constant 0 : i32
      %cond3A_93 = arith.cmpi ne, %convert_element_type3A_91, %cond3A_92 : i32
      scf.if %cond3A_93 {
        %dma_start3A_184 = arith.constant 0 : i32
        %dma_start3A_185 = tpu.memref_slice %arg6[%add3A_88, %dma_start3A_184] : memref<80x125xi32, #tpu.memory_space<vmem>> -> memref<1x125xi32, #tpu.memory_space<vmem>>
        %dma_start3A_186 = tpu.memref_squeeze %dma_start3A_185 : memref<1x125xi32, #tpu.memory_space<vmem>> -> memref<125xi32, #tpu.memory_space<vmem>>
        %dma_start3A_187 = arith.constant 0 : i32
        %dma_start3A_188 = arith.constant 0 : i32
        %dma_start3A_189 = tpu.memref_slice %arg2[%dma_start3A_187, %dma_start3A_188] : memref<10112x64xf32, #tpu.memory_space<hbm>> -> memref<10112x64xf32, #tpu.memory_space<hbm>>
        tpu.enqueue_indirect_dma source(%dma_start3A_189 : memref<10112x64xf32, #tpu.memory_space<hbm>>) target(%arg9 : memref<125x64xf32, #tpu.memory_space<vmem>>) offsets(%dma_start3A_186 : memref<125xi32, #tpu.memory_space<vmem>>) semaphore(%arg18 : memref<!tpu.dma_semaphore, #tpu.memory_space<semaphore_mem>>)
      } else {
      }
      %add3A_94 = arith.constant 2 : i32
      %add3A_95 = arith.addi %mul3A_67, %add3A_94 : i32
      %dma_wait3A_96 = arith.constant 0 : i32
      %dma_wait3A_97 = tpu.memref_slice %arg6[%add3A_95, %dma_wait3A_96] : memref<80x125xi32, #tpu.memory_space<vmem>> -> memref<1x125xi32, #tpu.memory_space<vmem>>
      %dma_wait3A_98 = tpu.memref_squeeze %dma_wait3A_97 : memref<1x125xi32, #tpu.memory_space<vmem>> -> memref<125xi32, #tpu.memory_space<vmem>>
      %dma_wait3A_99 = arith.constant 0 : i32
      %dma_wait3A_100 = arith.constant 0 : i32
      %dma_wait3A_101 = tpu.memref_slice %arg2[%dma_wait3A_99, %dma_wait3A_100] : memref<10112x64xf32, #tpu.memory_space<hbm>> -> memref<10112x64xf32, #tpu.memory_space<hbm>>
      tpu.wait_indirect_dma semaphore(%arg19 : memref<!tpu.dma_semaphore, #tpu.memory_space<semaphore_mem>>) src(%dma_wait3A_101 : memref<10112x64xf32, #tpu.memory_space<hbm>>) dst(%arg10 : memref<125x64xf32, #tpu.memory_space<vmem>>)
      "tpu.region"() ({
        %run_scoped3A_184 = tpu.sem_alloc : memref<!tpu.dma_semaphore, #tpu.memory_space<semaphore_mem>>
        %dma_start3A_185 = arith.constant 0 : i32
        %dma_start3A_186 = tpu.memref_slice %arg7[%add3A_95, %dma_start3A_185] : memref<80x125xi32, #tpu.memory_space<vmem>> -> memref<1x125xi32, #tpu.memory_space<vmem>>
        %dma_start3A_187 = tpu.memref_squeeze %dma_start3A_186 : memref<1x125xi32, #tpu.memory_space<vmem>> -> memref<125xi32, #tpu.memory_space<vmem>>
        %dma_start3A_188 = arith.constant 0 : i32
        %dma_start3A_189 = arith.constant 0 : i32
        %dma_start3A_190 = tpu.memref_slice %arg16[%dma_start3A_188, %dma_start3A_189] : memref<10112x64xf32, #tpu.memory_space<vmem_shared>> -> memref<10112x64xf32, #tpu.memory_space<vmem_shared>>
        tpu.enqueue_indirect_dma source(%arg10 : memref<125x64xf32, #tpu.memory_space<vmem>>) target(%dma_start3A_190 : memref<10112x64xf32, #tpu.memory_space<vmem_shared>>) offsets(%dma_start3A_187 : memref<125xi32, #tpu.memory_space<vmem>>) semaphore(%run_scoped3A_184 : memref<!tpu.dma_semaphore, #tpu.memory_space<semaphore_mem>>) {add = true}
        %dma_wait3A_191 = arith.constant 0 : i32
        %dma_wait3A_192 = tpu.memref_slice %arg7[%add3A_95, %dma_wait3A_191] : memref<80x125xi32, #tpu.memory_space<vmem>> -> memref<1x125xi32, #tpu.memory_space<vmem>>
        %dma_wait3A_193 = tpu.memref_squeeze %dma_wait3A_192 : memref<1x125xi32, #tpu.memory_space<vmem>> -> memref<125xi32, #tpu.memory_space<vmem>>
        %dma_wait3A_194 = arith.constant 0 : i32
        %dma_wait3A_195 = arith.constant 0 : i32
        %dma_wait3A_196 = tpu.memref_slice %arg16[%dma_wait3A_194, %dma_wait3A_195] : memref<10112x64xf32, #tpu.memory_space<vmem_shared>> -> memref<10112x64xf32, #tpu.memory_space<vmem_shared>>
        tpu.wait_indirect_dma semaphore(%run_scoped3A_184 : memref<!tpu.dma_semaphore, #tpu.memory_space<semaphore_mem>>) src(%arg10 : memref<125x64xf32, #tpu.memory_space<vmem>>) dst(%dma_wait3A_196 : memref<10112x64xf32, #tpu.memory_space<vmem_shared>>)
        tpu.yield
      }) : () -> ()
      %add3A_102 = arith.constant 8 : i32
      %add3A_103 = arith.addi %add3A_95, %add3A_102 : i32
      %lt3A_104 = arith.constant 80 : i32
      %lt3A_105 = arith.cmpi slt, %add3A_103, %lt3A_104 : i32
      %convert_element_type3A_106 = arith.extui %lt3A_105 : i1 to i32
      %cond3A_107 = arith.constant 0 : i32
      %cond3A_108 = arith.cmpi ne, %convert_element_type3A_106, %cond3A_107 : i32
      scf.if %cond3A_108 {
        %dma_start3A_184 = arith.constant 0 : i32
        %dma_start3A_185 = tpu.memref_slice %arg6[%add3A_103, %dma_start3A_184] : memref<80x125xi32, #tpu.memory_space<vmem>> -> memref<1x125xi32, #tpu.memory_space<vmem>>
        %dma_start3A_186 = tpu.memref_squeeze %dma_start3A_185 : memref<1x125xi32, #tpu.memory_space<vmem>> -> memref<125xi32, #tpu.memory_space<vmem>>
        %dma_start3A_187 = arith.constant 0 : i32
        %dma_start3A_188 = arith.constant 0 : i32
        %dma_start3A_189 = tpu.memref_slice %arg2[%dma_start3A_187, %dma_start3A_188] : memref<10112x64xf32, #tpu.memory_space<hbm>> -> memref<10112x64xf32, #tpu.memory_space<hbm>>
        tpu.enqueue_indirect_dma source(%dma_start3A_189 : memref<10112x64xf32, #tpu.memory_space<hbm>>) target(%arg10 : memref<125x64xf32, #tpu.memory_space<vmem>>) offsets(%dma_start3A_186 : memref<125xi32, #tpu.memory_space<vmem>>) semaphore(%arg19 : memref<!tpu.dma_semaphore, #tpu.memory_space<semaphore_mem>>)
      } else {
      }
      %add3A_109 = arith.constant 3 : i32
      %add3A_110 = arith.addi %mul3A_67, %add3A_109 : i32
      %dma_wait3A_111 = arith.constant 0 : i32
      %dma_wait3A_112 = tpu.memref_slice %arg6[%add3A_110, %dma_wait3A_111] : memref<80x125xi32, #tpu.memory_space<vmem>> -> memref<1x125xi32, #tpu.memory_space<vmem>>
      %dma_wait3A_113 = tpu.memref_squeeze %dma_wait3A_112 : memref<1x125xi32, #tpu.memory_space<vmem>> -> memref<125xi32, #tpu.memory_space<vmem>>
      %dma_wait3A_114 = arith.constant 0 : i32
      %dma_wait3A_115 = arith.constant 0 : i32
      %dma_wait3A_116 = tpu.memref_slice %arg2[%dma_wait3A_114, %dma_wait3A_115] : memref<10112x64xf32, #tpu.memory_space<hbm>> -> memref<10112x64xf32, #tpu.memory_space<hbm>>
      tpu.wait_indirect_dma semaphore(%arg20 : memref<!tpu.dma_semaphore, #tpu.memory_space<semaphore_mem>>) src(%dma_wait3A_116 : memref<10112x64xf32, #tpu.memory_space<hbm>>) dst(%arg11 : memref<125x64xf32, #tpu.memory_space<vmem>>)
      "tpu.region"() ({
        %run_scoped3A_184 = tpu.sem_alloc : memref<!tpu.dma_semaphore, #tpu.memory_space<semaphore_mem>>
        %dma_start3A_185 = arith.constant 0 : i32
        %dma_start3A_186 = tpu.memref_slice %arg7[%add3A_110, %dma_start3A_185] : memref<80x125xi32, #tpu.memory_space<vmem>> -> memref<1x125xi32, #tpu.memory_space<vmem>>
        %dma_start3A_187 = tpu.memref_squeeze %dma_start3A_186 : memref<1x125xi32, #tpu.memory_space<vmem>> -> memref<125xi32, #tpu.memory_space<vmem>>
        %dma_start3A_188 = arith.constant 0 : i32
        %dma_start3A_189 = arith.constant 0 : i32
        %dma_start3A_190 = tpu.memref_slice %arg16[%dma_start3A_188, %dma_start3A_189] : memref<10112x64xf32, #tpu.memory_space<vmem_shared>> -> memref<10112x64xf32, #tpu.memory_space<vmem_shared>>
        tpu.enqueue_indirect_dma source(%arg11 : memref<125x64xf32, #tpu.memory_space<vmem>>) target(%dma_start3A_190 : memref<10112x64xf32, #tpu.memory_space<vmem_shared>>) offsets(%dma_start3A_187 : memref<125xi32, #tpu.memory_space<vmem>>) semaphore(%run_scoped3A_184 : memref<!tpu.dma_semaphore, #tpu.memory_space<semaphore_mem>>) {add = true}
        %dma_wait3A_191 = arith.constant 0 : i32
        %dma_wait3A_192 = tpu.memref_slice %arg7[%add3A_110, %dma_wait3A_191] : memref<80x125xi32, #tpu.memory_space<vmem>> -> memref<1x125xi32, #tpu.memory_space<vmem>>
        %dma_wait3A_193 = tpu.memref_squeeze %dma_wait3A_192 : memref<1x125xi32, #tpu.memory_space<vmem>> -> memref<125xi32, #tpu.memory_space<vmem>>
        %dma_wait3A_194 = arith.constant 0 : i32
        %dma_wait3A_195 = arith.constant 0 : i32
        %dma_wait3A_196 = tpu.memref_slice %arg16[%dma_wait3A_194, %dma_wait3A_195] : memref<10112x64xf32, #tpu.memory_space<vmem_shared>> -> memref<10112x64xf32, #tpu.memory_space<vmem_shared>>
        tpu.wait_indirect_dma semaphore(%run_scoped3A_184 : memref<!tpu.dma_semaphore, #tpu.memory_space<semaphore_mem>>) src(%arg11 : memref<125x64xf32, #tpu.memory_space<vmem>>) dst(%dma_wait3A_196 : memref<10112x64xf32, #tpu.memory_space<vmem_shared>>)
        tpu.yield
      }) : () -> ()
      %add3A_117 = arith.constant 8 : i32
      %add3A_118 = arith.addi %add3A_110, %add3A_117 : i32
      %lt3A_119 = arith.constant 80 : i32
      %lt3A_120 = arith.cmpi slt, %add3A_118, %lt3A_119 : i32
      %convert_element_type3A_121 = arith.extui %lt3A_120 : i1 to i32
      %cond3A_122 = arith.constant 0 : i32
      %cond3A_123 = arith.cmpi ne, %convert_element_type3A_121, %cond3A_122 : i32
      scf.if %cond3A_123 {
        %dma_start3A_184 = arith.constant 0 : i32
        %dma_start3A_185 = tpu.memref_slice %arg6[%add3A_118, %dma_start3A_184] : memref<80x125xi32, #tpu.memory_space<vmem>> -> memref<1x125xi32, #tpu.memory_space<vmem>>
        %dma_start3A_186 = tpu.memref_squeeze %dma_start3A_185 : memref<1x125xi32, #tpu.memory_space<vmem>> -> memref<125xi32, #tpu.memory_space<vmem>>
        %dma_start3A_187 = arith.constant 0 : i32
        %dma_start3A_188 = arith.constant 0 : i32
        %dma_start3A_189 = tpu.memref_slice %arg2[%dma_start3A_187, %dma_start3A_188] : memref<10112x64xf32, #tpu.memory_space<hbm>> -> memref<10112x64xf32, #tpu.memory_space<hbm>>
        tpu.enqueue_indirect_dma source(%dma_start3A_189 : memref<10112x64xf32, #tpu.memory_space<hbm>>) target(%arg11 : memref<125x64xf32, #tpu.memory_space<vmem>>) offsets(%dma_start3A_186 : memref<125xi32, #tpu.memory_space<vmem>>) semaphore(%arg20 : memref<!tpu.dma_semaphore, #tpu.memory_space<semaphore_mem>>)
      } else {
      }
      %add3A_124 = arith.constant 4 : i32
      %add3A_125 = arith.addi %mul3A_67, %add3A_124 : i32
      %dma_wait3A_126 = arith.constant 0 : i32
      %dma_wait3A_127 = tpu.memref_slice %arg6[%add3A_125, %dma_wait3A_126] : memref<80x125xi32, #tpu.memory_space<vmem>> -> memref<1x125xi32, #tpu.memory_space<vmem>>
      %dma_wait3A_128 = tpu.memref_squeeze %dma_wait3A_127 : memref<1x125xi32, #tpu.memory_space<vmem>> -> memref<125xi32, #tpu.memory_space<vmem>>
      %dma_wait3A_129 = arith.constant 0 : i32
      %dma_wait3A_130 = arith.constant 0 : i32
      %dma_wait3A_131 = tpu.memref_slice %arg2[%dma_wait3A_129, %dma_wait3A_130] : memref<10112x64xf32, #tpu.memory_space<hbm>> -> memref<10112x64xf32, #tpu.memory_space<hbm>>
      tpu.wait_indirect_dma semaphore(%arg21 : memref<!tpu.dma_semaphore, #tpu.memory_space<semaphore_mem>>) src(%dma_wait3A_131 : memref<10112x64xf32, #tpu.memory_space<hbm>>) dst(%arg12 : memref<125x64xf32, #tpu.memory_space<vmem>>)
      "tpu.region"() ({
        %run_scoped3A_184 = tpu.sem_alloc : memref<!tpu.dma_semaphore, #tpu.memory_space<semaphore_mem>>
        %dma_start3A_185 = arith.constant 0 : i32
        %dma_start3A_186 = tpu.memref_slice %arg7[%add3A_125, %dma_start3A_185] : memref<80x125xi32, #tpu.memory_space<vmem>> -> memref<1x125xi32, #tpu.memory_space<vmem>>
        %dma_start3A_187 = tpu.memref_squeeze %dma_start3A_186 : memref<1x125xi32, #tpu.memory_space<vmem>> -> memref<125xi32, #tpu.memory_space<vmem>>
        %dma_start3A_188 = arith.constant 0 : i32
        %dma_start3A_189 = arith.constant 0 : i32
        %dma_start3A_190 = tpu.memref_slice %arg16[%dma_start3A_188, %dma_start3A_189] : memref<10112x64xf32, #tpu.memory_space<vmem_shared>> -> memref<10112x64xf32, #tpu.memory_space<vmem_shared>>
        tpu.enqueue_indirect_dma source(%arg12 : memref<125x64xf32, #tpu.memory_space<vmem>>) target(%dma_start3A_190 : memref<10112x64xf32, #tpu.memory_space<vmem_shared>>) offsets(%dma_start3A_187 : memref<125xi32, #tpu.memory_space<vmem>>) semaphore(%run_scoped3A_184 : memref<!tpu.dma_semaphore, #tpu.memory_space<semaphore_mem>>) {add = true}
        %dma_wait3A_191 = arith.constant 0 : i32
        %dma_wait3A_192 = tpu.memref_slice %arg7[%add3A_125, %dma_wait3A_191] : memref<80x125xi32, #tpu.memory_space<vmem>> -> memref<1x125xi32, #tpu.memory_space<vmem>>
        %dma_wait3A_193 = tpu.memref_squeeze %dma_wait3A_192 : memref<1x125xi32, #tpu.memory_space<vmem>> -> memref<125xi32, #tpu.memory_space<vmem>>
        %dma_wait3A_194 = arith.constant 0 : i32
        %dma_wait3A_195 = arith.constant 0 : i32
        %dma_wait3A_196 = tpu.memref_slice %arg16[%dma_wait3A_194, %dma_wait3A_195] : memref<10112x64xf32, #tpu.memory_space<vmem_shared>> -> memref<10112x64xf32, #tpu.memory_space<vmem_shared>>
        tpu.wait_indirect_dma semaphore(%run_scoped3A_184 : memref<!tpu.dma_semaphore, #tpu.memory_space<semaphore_mem>>) src(%arg12 : memref<125x64xf32, #tpu.memory_space<vmem>>) dst(%dma_wait3A_196 : memref<10112x64xf32, #tpu.memory_space<vmem_shared>>)
        tpu.yield
      }) : () -> ()
      %add3A_132 = arith.constant 8 : i32
      %add3A_133 = arith.addi %add3A_125, %add3A_132 : i32
      %lt3A_134 = arith.constant 80 : i32
      %lt3A_135 = arith.cmpi slt, %add3A_133, %lt3A_134 : i32
      %convert_element_type3A_136 = arith.extui %lt3A_135 : i1 to i32
      %cond3A_137 = arith.constant 0 : i32
      %cond3A_138 = arith.cmpi ne, %convert_element_type3A_136, %cond3A_137 : i32
      scf.if %cond3A_138 {
        %dma_start3A_184 = arith.constant 0 : i32
        %dma_start3A_185 = tpu.memref_slice %arg6[%add3A_133, %dma_start3A_184] : memref<80x125xi32, #tpu.memory_space<vmem>> -> memref<1x125xi32, #tpu.memory_space<vmem>>
        %dma_start3A_186 = tpu.memref_squeeze %dma_start3A_185 : memref<1x125xi32, #tpu.memory_space<vmem>> -> memref<125xi32, #tpu.memory_space<vmem>>
        %dma_start3A_187 = arith.constant 0 : i32
        %dma_start3A_188 = arith.constant 0 : i32
        %dma_start3A_189 = tpu.memref_slice %arg2[%dma_start3A_187, %dma_start3A_188] : memref<10112x64xf32, #tpu.memory_space<hbm>> -> memref<10112x64xf32, #tpu.memory_space<hbm>>
        tpu.enqueue_indirect_dma source(%dma_start3A_189 : memref<10112x64xf32, #tpu.memory_space<hbm>>) target(%arg12 : memref<125x64xf32, #tpu.memory_space<vmem>>) offsets(%dma_start3A_186 : memref<125xi32, #tpu.memory_space<vmem>>) semaphore(%arg21 : memref<!tpu.dma_semaphore, #tpu.memory_space<semaphore_mem>>)
      } else {
      }
      %add3A_139 = arith.constant 5 : i32
      %add3A_140 = arith.addi %mul3A_67, %add3A_139 : i32
      %dma_wait3A_141 = arith.constant 0 : i32
      %dma_wait3A_142 = tpu.memref_slice %arg6[%add3A_140, %dma_wait3A_141] : memref<80x125xi32, #tpu.memory_space<vmem>> -> memref<1x125xi32, #tpu.memory_space<vmem>>
      %dma_wait3A_143 = tpu.memref_squeeze %dma_wait3A_142 : memref<1x125xi32, #tpu.memory_space<vmem>> -> memref<125xi32, #tpu.memory_space<vmem>>
      %dma_wait3A_144 = arith.constant 0 : i32
      %dma_wait3A_145 = arith.constant 0 : i32
      %dma_wait3A_146 = tpu.memref_slice %arg2[%dma_wait3A_144, %dma_wait3A_145] : memref<10112x64xf32, #tpu.memory_space<hbm>> -> memref<10112x64xf32, #tpu.memory_space<hbm>>
      tpu.wait_indirect_dma semaphore(%arg22 : memref<!tpu.dma_semaphore, #tpu.memory_space<semaphore_mem>>) src(%dma_wait3A_146 : memref<10112x64xf32, #tpu.memory_space<hbm>>) dst(%arg13 : memref<125x64xf32, #tpu.memory_space<vmem>>)
      "tpu.region"() ({
        %run_scoped3A_184 = tpu.sem_alloc : memref<!tpu.dma_semaphore, #tpu.memory_space<semaphore_mem>>
        %dma_start3A_185 = arith.constant 0 : i32
        %dma_start3A_186 = tpu.memref_slice %arg7[%add3A_140, %dma_start3A_185] : memref<80x125xi32, #tpu.memory_space<vmem>> -> memref<1x125xi32, #tpu.memory_space<vmem>>
        %dma_start3A_187 = tpu.memref_squeeze %dma_start3A_186 : memref<1x125xi32, #tpu.memory_space<vmem>> -> memref<125xi32, #tpu.memory_space<vmem>>
        %dma_start3A_188 = arith.constant 0 : i32
        %dma_start3A_189 = arith.constant 0 : i32
        %dma_start3A_190 = tpu.memref_slice %arg16[%dma_start3A_188, %dma_start3A_189] : memref<10112x64xf32, #tpu.memory_space<vmem_shared>> -> memref<10112x64xf32, #tpu.memory_space<vmem_shared>>
        tpu.enqueue_indirect_dma source(%arg13 : memref<125x64xf32, #tpu.memory_space<vmem>>) target(%dma_start3A_190 : memref<10112x64xf32, #tpu.memory_space<vmem_shared>>) offsets(%dma_start3A_187 : memref<125xi32, #tpu.memory_space<vmem>>) semaphore(%run_scoped3A_184 : memref<!tpu.dma_semaphore, #tpu.memory_space<semaphore_mem>>) {add = true}
        %dma_wait3A_191 = arith.constant 0 : i32
        %dma_wait3A_192 = tpu.memref_slice %arg7[%add3A_140, %dma_wait3A_191] : memref<80x125xi32, #tpu.memory_space<vmem>> -> memref<1x125xi32, #tpu.memory_space<vmem>>
        %dma_wait3A_193 = tpu.memref_squeeze %dma_wait3A_192 : memref<1x125xi32, #tpu.memory_space<vmem>> -> memref<125xi32, #tpu.memory_space<vmem>>
        %dma_wait3A_194 = arith.constant 0 : i32
        %dma_wait3A_195 = arith.constant 0 : i32
        %dma_wait3A_196 = tpu.memref_slice %arg16[%dma_wait3A_194, %dma_wait3A_195] : memref<10112x64xf32, #tpu.memory_space<vmem_shared>> -> memref<10112x64xf32, #tpu.memory_space<vmem_shared>>
        tpu.wait_indirect_dma semaphore(%run_scoped3A_184 : memref<!tpu.dma_semaphore, #tpu.memory_space<semaphore_mem>>) src(%arg13 : memref<125x64xf32, #tpu.memory_space<vmem>>) dst(%dma_wait3A_196 : memref<10112x64xf32, #tpu.memory_space<vmem_shared>>)
        tpu.yield
      }) : () -> ()
      %add3A_147 = arith.constant 8 : i32
      %add3A_148 = arith.addi %add3A_140, %add3A_147 : i32
      %lt3A_149 = arith.constant 80 : i32
      %lt3A_150 = arith.cmpi slt, %add3A_148, %lt3A_149 : i32
      %convert_element_type3A_151 = arith.extui %lt3A_150 : i1 to i32
      %cond3A_152 = arith.constant 0 : i32
      %cond3A_153 = arith.cmpi ne, %convert_element_type3A_151, %cond3A_152 : i32
      scf.if %cond3A_153 {
        %dma_start3A_184 = arith.constant 0 : i32
        %dma_start3A_185 = tpu.memref_slice %arg6[%add3A_148, %dma_start3A_184] : memref<80x125xi32, #tpu.memory_space<vmem>> -> memref<1x125xi32, #tpu.memory_space<vmem>>
        %dma_start3A_186 = tpu.memref_squeeze %dma_start3A_185 : memref<1x125xi32, #tpu.memory_space<vmem>> -> memref<125xi32, #tpu.memory_space<vmem>>
        %dma_start3A_187 = arith.constant 0 : i32
        %dma_start3A_188 = arith.constant 0 : i32
        %dma_start3A_189 = tpu.memref_slice %arg2[%dma_start3A_187, %dma_start3A_188] : memref<10112x64xf32, #tpu.memory_space<hbm>> -> memref<10112x64xf32, #tpu.memory_space<hbm>>
        tpu.enqueue_indirect_dma source(%dma_start3A_189 : memref<10112x64xf32, #tpu.memory_space<hbm>>) target(%arg13 : memref<125x64xf32, #tpu.memory_space<vmem>>) offsets(%dma_start3A_186 : memref<125xi32, #tpu.memory_space<vmem>>) semaphore(%arg22 : memref<!tpu.dma_semaphore, #tpu.memory_space<semaphore_mem>>)
      } else {
      }
      %add3A_154 = arith.constant 6 : i32
      %add3A_155 = arith.addi %mul3A_67, %add3A_154 : i32
      %dma_wait3A_156 = arith.constant 0 : i32
      %dma_wait3A_157 = tpu.memref_slice %arg6[%add3A_155, %dma_wait3A_156] : memref<80x125xi32, #tpu.memory_space<vmem>> -> memref<1x125xi32, #tpu.memory_space<vmem>>
      %dma_wait3A_158 = tpu.memref_squeeze %dma_wait3A_157 : memref<1x125xi32, #tpu.memory_space<vmem>> -> memref<125xi32, #tpu.memory_space<vmem>>
      %dma_wait3A_159 = arith.constant 0 : i32
      %dma_wait3A_160 = arith.constant 0 : i32
      %dma_wait3A_161 = tpu.memref_slice %arg2[%dma_wait3A_159, %dma_wait3A_160] : memref<10112x64xf32, #tpu.memory_space<hbm>> -> memref<10112x64xf32, #tpu.memory_space<hbm>>
      tpu.wait_indirect_dma semaphore(%arg23 : memref<!tpu.dma_semaphore, #tpu.memory_space<semaphore_mem>>) src(%dma_wait3A_161 : memref<10112x64xf32, #tpu.memory_space<hbm>>) dst(%arg14 : memref<125x64xf32, #tpu.memory_space<vmem>>)
      "tpu.region"() ({
        %run_scoped3A_184 = tpu.sem_alloc : memref<!tpu.dma_semaphore, #tpu.memory_space<semaphore_mem>>
        %dma_start3A_185 = arith.constant 0 : i32
        %dma_start3A_186 = tpu.memref_slice %arg7[%add3A_155, %dma_start3A_185] : memref<80x125xi32, #tpu.memory_space<vmem>> -> memref<1x125xi32, #tpu.memory_space<vmem>>
        %dma_start3A_187 = tpu.memref_squeeze %dma_start3A_186 : memref<1x125xi32, #tpu.memory_space<vmem>> -> memref<125xi32, #tpu.memory_space<vmem>>
        %dma_start3A_188 = arith.constant 0 : i32
        %dma_start3A_189 = arith.constant 0 : i32
        %dma_start3A_190 = tpu.memref_slice %arg16[%dma_start3A_188, %dma_start3A_189] : memref<10112x64xf32, #tpu.memory_space<vmem_shared>> -> memref<10112x64xf32, #tpu.memory_space<vmem_shared>>
        tpu.enqueue_indirect_dma source(%arg14 : memref<125x64xf32, #tpu.memory_space<vmem>>) target(%dma_start3A_190 : memref<10112x64xf32, #tpu.memory_space<vmem_shared>>) offsets(%dma_start3A_187 : memref<125xi32, #tpu.memory_space<vmem>>) semaphore(%run_scoped3A_184 : memref<!tpu.dma_semaphore, #tpu.memory_space<semaphore_mem>>) {add = true}
        %dma_wait3A_191 = arith.constant 0 : i32
        %dma_wait3A_192 = tpu.memref_slice %arg7[%add3A_155, %dma_wait3A_191] : memref<80x125xi32, #tpu.memory_space<vmem>> -> memref<1x125xi32, #tpu.memory_space<vmem>>
        %dma_wait3A_193 = tpu.memref_squeeze %dma_wait3A_192 : memref<1x125xi32, #tpu.memory_space<vmem>> -> memref<125xi32, #tpu.memory_space<vmem>>
        %dma_wait3A_194 = arith.constant 0 : i32
        %dma_wait3A_195 = arith.constant 0 : i32
        %dma_wait3A_196 = tpu.memref_slice %arg16[%dma_wait3A_194, %dma_wait3A_195] : memref<10112x64xf32, #tpu.memory_space<vmem_shared>> -> memref<10112x64xf32, #tpu.memory_space<vmem_shared>>
        tpu.wait_indirect_dma semaphore(%run_scoped3A_184 : memref<!tpu.dma_semaphore, #tpu.memory_space<semaphore_mem>>) src(%arg14 : memref<125x64xf32, #tpu.memory_space<vmem>>) dst(%dma_wait3A_196 : memref<10112x64xf32, #tpu.memory_space<vmem_shared>>)
        tpu.yield
      }) : () -> ()
      %add3A_162 = arith.constant 8 : i32
      %add3A_163 = arith.addi %add3A_155, %add3A_162 : i32
      %lt3A_164 = arith.constant 80 : i32
      %lt3A_165 = arith.cmpi slt, %add3A_163, %lt3A_164 : i32
      %convert_element_type3A_166 = arith.extui %lt3A_165 : i1 to i32
      %cond3A_167 = arith.constant 0 : i32
      %cond3A_168 = arith.cmpi ne, %convert_element_type3A_166, %cond3A_167 : i32
      scf.if %cond3A_168 {
        %dma_start3A_184 = arith.constant 0 : i32
        %dma_start3A_185 = tpu.memref_slice %arg6[%add3A_163, %dma_start3A_184] : memref<80x125xi32, #tpu.memory_space<vmem>> -> memref<1x125xi32, #tpu.memory_space<vmem>>
        %dma_start3A_186 = tpu.memref_squeeze %dma_start3A_185 : memref<1x125xi32, #tpu.memory_space<vmem>> -> memref<125xi32, #tpu.memory_space<vmem>>
        %dma_start3A_187 = arith.constant 0 : i32
        %dma_start3A_188 = arith.constant 0 : i32
        %dma_start3A_189 = tpu.memref_slice %arg2[%dma_start3A_187, %dma_start3A_188] : memref<10112x64xf32, #tpu.memory_space<hbm>> -> memref<10112x64xf32, #tpu.memory_space<hbm>>
        tpu.enqueue_indirect_dma source(%dma_start3A_189 : memref<10112x64xf32, #tpu.memory_space<hbm>>) target(%arg14 : memref<125x64xf32, #tpu.memory_space<vmem>>) offsets(%dma_start3A_186 : memref<125xi32, #tpu.memory_space<vmem>>) semaphore(%arg23 : memref<!tpu.dma_semaphore, #tpu.memory_space<semaphore_mem>>)
      } else {
      }
      %add3A_169 = arith.constant 7 : i32
      %add3A_170 = arith.addi %mul3A_67, %add3A_169 : i32
      %dma_wait3A_171 = arith.constant 0 : i32
      %dma_wait3A_172 = tpu.memref_slice %arg6[%add3A_170, %dma_wait3A_171] : memref<80x125xi32, #tpu.memory_space<vmem>> -> memref<1x125xi32, #tpu.memory_space<vmem>>
      %dma_wait3A_173 = tpu.memref_squeeze %dma_wait3A_172 : memref<1x125xi32, #tpu.memory_space<vmem>> -> memref<125xi32, #tpu.memory_space<vmem>>
      %dma_wait3A_174 = arith.constant 0 : i32
      %dma_wait3A_175 = arith.constant 0 : i32
      %dma_wait3A_176 = tpu.memref_slice %arg2[%dma_wait3A_174, %dma_wait3A_175] : memref<10112x64xf32, #tpu.memory_space<hbm>> -> memref<10112x64xf32, #tpu.memory_space<hbm>>
      tpu.wait_indirect_dma semaphore(%arg24 : memref<!tpu.dma_semaphore, #tpu.memory_space<semaphore_mem>>) src(%dma_wait3A_176 : memref<10112x64xf32, #tpu.memory_space<hbm>>) dst(%arg15 : memref<125x64xf32, #tpu.memory_space<vmem>>)
      "tpu.region"() ({
        %run_scoped3A_184 = tpu.sem_alloc : memref<!tpu.dma_semaphore, #tpu.memory_space<semaphore_mem>>
        %dma_start3A_185 = arith.constant 0 : i32
        %dma_start3A_186 = tpu.memref_slice %arg7[%add3A_170, %dma_start3A_185] : memref<80x125xi32, #tpu.memory_space<vmem>> -> memref<1x125xi32, #tpu.memory_space<vmem>>
        %dma_start3A_187 = tpu.memref_squeeze %dma_start3A_186 : memref<1x125xi32, #tpu.memory_space<vmem>> -> memref<125xi32, #tpu.memory_space<vmem>>
        %dma_start3A_188 = arith.constant 0 : i32
        %dma_start3A_189 = arith.constant 0 : i32
        %dma_start3A_190 = tpu.memref_slice %arg16[%dma_start3A_188, %dma_start3A_189] : memref<10112x64xf32, #tpu.memory_space<vmem_shared>> -> memref<10112x64xf32, #tpu.memory_space<vmem_shared>>
        tpu.enqueue_indirect_dma source(%arg15 : memref<125x64xf32, #tpu.memory_space<vmem>>) target(%dma_start3A_190 : memref<10112x64xf32, #tpu.memory_space<vmem_shared>>) offsets(%dma_start3A_187 : memref<125xi32, #tpu.memory_space<vmem>>) semaphore(%run_scoped3A_184 : memref<!tpu.dma_semaphore, #tpu.memory_space<semaphore_mem>>) {add = true}
        %dma_wait3A_191 = arith.constant 0 : i32
        %dma_wait3A_192 = tpu.memref_slice %arg7[%add3A_170, %dma_wait3A_191] : memref<80x125xi32, #tpu.memory_space<vmem>> -> memref<1x125xi32, #tpu.memory_space<vmem>>
        %dma_wait3A_193 = tpu.memref_squeeze %dma_wait3A_192 : memref<1x125xi32, #tpu.memory_space<vmem>> -> memref<125xi32, #tpu.memory_space<vmem>>
        %dma_wait3A_194 = arith.constant 0 : i32
        %dma_wait3A_195 = arith.constant 0 : i32
        %dma_wait3A_196 = tpu.memref_slice %arg16[%dma_wait3A_194, %dma_wait3A_195] : memref<10112x64xf32, #tpu.memory_space<vmem_shared>> -> memref<10112x64xf32, #tpu.memory_space<vmem_shared>>
        tpu.wait_indirect_dma semaphore(%run_scoped3A_184 : memref<!tpu.dma_semaphore, #tpu.memory_space<semaphore_mem>>) src(%arg15 : memref<125x64xf32, #tpu.memory_space<vmem>>) dst(%dma_wait3A_196 : memref<10112x64xf32, #tpu.memory_space<vmem_shared>>)
        tpu.yield
      }) : () -> ()
      %add3A_177 = arith.constant 8 : i32
      %add3A_178 = arith.addi %add3A_170, %add3A_177 : i32
      %lt3A_179 = arith.constant 80 : i32
      %lt3A_180 = arith.cmpi slt, %add3A_178, %lt3A_179 : i32
      %convert_element_type3A_181 = arith.extui %lt3A_180 : i1 to i32
      %cond3A_182 = arith.constant 0 : i32
      %cond3A_183 = arith.cmpi ne, %convert_element_type3A_181, %cond3A_182 : i32
      scf.if %cond3A_183 {
        %dma_start3A_184 = arith.constant 0 : i32
        %dma_start3A_185 = tpu.memref_slice %arg6[%add3A_178, %dma_start3A_184] : memref<80x125xi32, #tpu.memory_space<vmem>> -> memref<1x125xi32, #tpu.memory_space<vmem>>
        %dma_start3A_186 = tpu.memref_squeeze %dma_start3A_185 : memref<1x125xi32, #tpu.memory_space<vmem>> -> memref<125xi32, #tpu.memory_space<vmem>>
        %dma_start3A_187 = arith.constant 0 : i32
        %dma_start3A_188 = arith.constant 0 : i32
        %dma_start3A_189 = tpu.memref_slice %arg2[%dma_start3A_187, %dma_start3A_188] : memref<10112x64xf32, #tpu.memory_space<hbm>> -> memref<10112x64xf32, #tpu.memory_space<hbm>>
        tpu.enqueue_indirect_dma source(%dma_start3A_189 : memref<10112x64xf32, #tpu.memory_space<hbm>>) target(%arg15 : memref<125x64xf32, #tpu.memory_space<vmem>>) offsets(%dma_start3A_186 : memref<125xi32, #tpu.memory_space<vmem>>) semaphore(%arg24 : memref<!tpu.dma_semaphore, #tpu.memory_space<semaphore_mem>>)
      } else {
      }
    }
    %scan3A_63 = arith.constant 10 : i32
    %barrier3A_64 = arith.constant 0 : index
    tpu.barrier barrier_id(%barrier3A_64)
    "tpu.region"() ({
      %run_scoped3A_65 = tpu.sem_alloc : memref<!tpu.dma_semaphore, #tpu.memory_space<semaphore_mem>>
      %dma_start3A_66 = arith.constant 0 : i32
      %dma_start3A_67 = tpu.memref_slice %arg5[%arg0, %mul3A_2, %dma_start3A_66] : memref<2x10112x64xf32, #tpu.memory_space<hbm>> -> memref<1x632x64xf32, #tpu.memory_space<hbm>>
      %dma_start3A_68 = tpu.memref_squeeze %dma_start3A_67 : memref<1x632x64xf32, #tpu.memory_space<hbm>> -> memref<632x64xf32, #tpu.memory_space<hbm>>
      %dma_start3A_69 = arith.constant 0 : i32
      %dma_start3A_70 = tpu.memref_slice %arg16[%mul3A_2, %dma_start3A_69] : memref<10112x64xf32, #tpu.memory_space<vmem_shared>> -> memref<632x64xf32, #tpu.memory_space<vmem_shared>>
      tpu.enqueue_dma source(%dma_start3A_70 : memref<632x64xf32, #tpu.memory_space<vmem_shared>>) target(%dma_start3A_68 : memref<632x64xf32, #tpu.memory_space<hbm>>) target_semaphore(%run_scoped3A_65 : memref<!tpu.dma_semaphore, #tpu.memory_space<semaphore_mem>>)
      %dma_wait3A = arith.constant 0 : i32
      %dma_wait3A_71 = tpu.memref_slice %arg5[%arg0, %mul3A_2, %dma_wait3A] : memref<2x10112x64xf32, #tpu.memory_space<hbm>> -> memref<1x632x64xf32, #tpu.memory_space<hbm>>
      %dma_wait3A_72 = tpu.memref_squeeze %dma_wait3A_71 : memref<1x632x64xf32, #tpu.memory_space<hbm>> -> memref<632x64xf32, #tpu.memory_space<hbm>>
      %dma_wait3A_73 = arith.constant 0 : i32
      %dma_wait3A_74 = tpu.memref_slice %arg16[%mul3A_2, %dma_wait3A_73] : memref<10112x64xf32, #tpu.memory_space<vmem_shared>> -> memref<632x64xf32, #tpu.memory_space<vmem_shared>>
      tpu.wait_dma2 semaphore(%run_scoped3A_65 : memref<!tpu.dma_semaphore, #tpu.memory_space<semaphore_mem>>) src(%dma_wait3A_74 : memref<632x64xf32, #tpu.memory_space<vmem_shared>>) dst(%dma_wait3A_72 : memref<632x64xf32, #tpu.memory_space<hbm>>)
      tpu.yield
    }) : () -> ()
    return
  }
}

#map = affine_map<(d0, d1) -> (0, 0)>
#map1 = affine_map<(d0, d1) -> (0)>
module attributes {stable_mosaic.version = 14 : i64} {
  func.func @deg_kernel(%arg0: i32, %arg1: i32, %arg2: memref<2x320000xi32, #tpu.memory_space<hbm>>, %arg3: memref<323584xf32, #tpu.memory_space<hbm>>, %arg4: memref<10112xf32, #tpu.memory_space<vmem>>, %arg5: memref<10000xi32, #tpu.memory_space<vmem>>) attributes {dimension_semantics = [#tpu.dimension_semantics<core_parallel>, #tpu.dimension_semantics<subcore_parallel>], iteration_bounds = array<i64: 2, 16>, scalar_prefetch = 0 : i64, scratch_operands = 2 : i64, tpu.core_type = #tpu.core_type<sc_vector_subcore>, window_params = [{transform_indices = #map}, {transform_indices = #map1}]} {
    %mul3A = arith.constant 2 : i32
    %mul3A_0 = arith.muli %arg1, %mul3A : i32
    %add3A = arith.addi %mul3A_0, %arg0 : i32
    %broadcast_in_dim3A = arith.constant 0.000000e+00 : f32
    %broadcast_in_dim3A_1 = vector.broadcast %broadcast_in_dim3A : f32 to vector<16xf32>
    %scan3A = arith.constant 0 : i32
    %scan3A_2 = arith.constant 0 : i32
    %scan3A_3 = arith.constant 632 : i32
    %scan3A_4 = arith.addi %scan3A_2, %scan3A_3 : i32
    %scan3A_5 = arith.constant 1 : i32
    scf.for %scan3A_19 = %scan3A_2 to %scan3A_4 step %scan3A_5  : i32 {
      %mul3A_20 = arith.constant 16 : i32
      %mul3A_21 = arith.muli %scan3A_19, %mul3A_20 : i32
      %swap3A = arith.index_cast %mul3A_21 : i32 to index
      %swap3A_22 = tpu.vector_load %arg4[%swap3A] {strides = array<i32>} : memref<10112xf32, #tpu.memory_space<vmem>>, vector<16xf32>,
      tpu.vector_store %arg4[%swap3A], %broadcast_in_dim3A_1 {strides = array<i32>} : memref<10112xf32, #tpu.memory_space<vmem>>, vector<16xf32>,
    }
    %scan3A_6 = arith.constant 632 : i32
    %mul3A_7 = arith.constant 10000 : i32
    %mul3A_8 = arith.muli %add3A, %mul3A_7 : i32
    %run_scoped3A = arith.constant 1 : i32
    "tpu.region"() ({
      %run_scoped3A_19 = tpu.sem_alloc : memref<!tpu.dma_semaphore, #tpu.memory_space<semaphore_mem>>
      %dma_start3A = tpu.memref_slice %arg2[%run_scoped3A, %mul3A_8] : memref<2x320000xi32, #tpu.memory_space<hbm>> -> memref<1x10000xi32, #tpu.memory_space<hbm>>
      %dma_start3A_20 = tpu.memref_squeeze %dma_start3A : memref<1x10000xi32, #tpu.memory_space<hbm>> -> memref<10000xi32, #tpu.memory_space<hbm>>
      %dma_start3A_21 = tpu.memref_slice %arg2[%run_scoped3A, %mul3A_8] : memref<2x320000xi32, #tpu.memory_space<hbm>> -> memref<1x10000xi32, #tpu.memory_space<hbm>>
      %dma_start3A_22 = tpu.memref_squeeze %dma_start3A_21 : memref<1x10000xi32, #tpu.memory_space<hbm>> -> memref<10000xi32, #tpu.memory_space<hbm>>
      tpu.enqueue_dma source(%dma_start3A_22 : memref<10000xi32, #tpu.memory_space<hbm>>) target(%arg5 : memref<10000xi32, #tpu.memory_space<vmem>>) target_semaphore(%run_scoped3A_19 : memref<!tpu.dma_semaphore, #tpu.memory_space<semaphore_mem>>)
      %dma_wait3A = tpu.memref_slice %arg2[%run_scoped3A, %mul3A_8] : memref<2x320000xi32, #tpu.memory_space<hbm>> -> memref<1x10000xi32, #tpu.memory_space<hbm>>
      %dma_wait3A_23 = tpu.memref_squeeze %dma_wait3A : memref<1x10000xi32, #tpu.memory_space<hbm>> -> memref<10000xi32, #tpu.memory_space<hbm>>
      %dma_wait3A_24 = tpu.memref_slice %arg2[%run_scoped3A, %mul3A_8] : memref<2x320000xi32, #tpu.memory_space<hbm>> -> memref<1x10000xi32, #tpu.memory_space<hbm>>
      %dma_wait3A_25 = tpu.memref_squeeze %dma_wait3A_24 : memref<1x10000xi32, #tpu.memory_space<hbm>> -> memref<10000xi32, #tpu.memory_space<hbm>>
      tpu.wait_dma2 semaphore(%run_scoped3A_19 : memref<!tpu.dma_semaphore, #tpu.memory_space<semaphore_mem>>) src(%dma_wait3A_25 : memref<10000xi32, #tpu.memory_space<hbm>>) dst(%arg5 : memref<10000xi32, #tpu.memory_space<vmem>>)
      tpu.yield
    }) : () -> ()
    %broadcast_in_dim3A_9 = arith.constant 1.000000e+00 : f32
    %broadcast_in_dim3A_10 = vector.broadcast %broadcast_in_dim3A_9 : f32 to vector<16xf32>
    %scan3A_11 = arith.constant 0 : i32
    %scan3A_12 = arith.constant 0 : i32
    %scan3A_13 = arith.constant 625 : i32
    %scan3A_14 = arith.addi %scan3A_12, %scan3A_13 : i32
    %scan3A_15 = arith.constant 1 : i32
    scf.for %scan3A_19 = %scan3A_12 to %scan3A_14 step %scan3A_15  : i32 {
      %mul3A_20 = arith.constant 16 : i32
      %mul3A_21 = arith.muli %scan3A_19, %mul3A_20 : i32
      %get3A = arith.index_cast %mul3A_21 : i32 to index
      %get3A_22 = tpu.vector_load %arg5[%get3A] {strides = array<i32>} : memref<10000xi32, #tpu.memory_space<vmem>>, vector<16xi32>,
      tpu.vector_store_idx %arg4[%get3A_22], %broadcast_in_dim3A_10 {add = true} : memref<10112xf32, #tpu.memory_space<vmem>>[vector<16xi32>], vector<16xf32>,
    }
    %scan3A_16 = arith.constant 625 : i32
    %mul3A_17 = arith.constant 10112 : i32
    %mul3A_18 = arith.muli %add3A, %mul3A_17 : i32
    "tpu.region"() ({
      %run_scoped3A_19 = tpu.sem_alloc : memref<!tpu.dma_semaphore, #tpu.memory_space<semaphore_mem>>
      %dma_start3A = tpu.memref_slice %arg3[%mul3A_18] : memref<323584xf32, #tpu.memory_space<hbm>> -> memref<10112xf32, #tpu.memory_space<hbm>>
      %dma_start3A_20 = tpu.memref_slice %arg3[%mul3A_18] : memref<323584xf32, #tpu.memory_space<hbm>> -> memref<10112xf32, #tpu.memory_space<hbm>>
      tpu.enqueue_dma source(%arg4 : memref<10112xf32, #tpu.memory_space<vmem>>) target(%dma_start3A_20 : memref<10112xf32, #tpu.memory_space<hbm>>) target_semaphore(%run_scoped3A_19 : memref<!tpu.dma_semaphore, #tpu.memory_space<semaphore_mem>>)
      %dma_wait3A = tpu.memref_slice %arg3[%mul3A_18] : memref<323584xf32, #tpu.memory_space<hbm>> -> memref<10112xf32, #tpu.memory_space<hbm>>
      %dma_wait3A_21 = tpu.memref_slice %arg3[%mul3A_18] : memref<323584xf32, #tpu.memory_space<hbm>> -> memref<10112xf32, #tpu.memory_space<hbm>>
      tpu.wait_dma2 semaphore(%run_scoped3A_19 : memref<!tpu.dma_semaphore, #tpu.memory_space<semaphore_mem>>) src(%arg4 : memref<10112xf32, #tpu.memory_space<vmem>>) dst(%dma_wait3A_21 : memref<10112xf32, #tpu.memory_space<hbm>>)
      tpu.yield
    }) : () -> ()
    return
  }
}

#map = affine_map<(d0, d1) -> (0, 0)>
#map1 = affine_map<(d0, d1) -> (0, 0, 0, 0)>
#map2 = affine_map<(d0, d1) -> (0, 0, 0)>
module attributes {stable_mosaic.version = 14 : i64} {
  func.func @agg_kernel(%arg0: i32, %arg1: i32, %arg2: memref<10000x64xf32, #tpu.memory_space<hbm>>, %arg3: memref<2x32x80x125xi32, #tpu.memory_space<hbm>>, %arg4: memref<10112x64xf32, #tpu.memory_space<hbm>>, %arg5: memref<2x10112x64xf32, #tpu.memory_space<hbm>>, %arg6: memref<80x125xi32, #tpu.memory_space<vmem>>, %arg7: memref<80x125xi32, #tpu.memory_space<vmem>>, %arg8: memref<125x64xf32, #tpu.memory_space<vmem>>, %arg9: memref<125x64xf32, #tpu.memory_space<vmem>>, %arg10: memref<125x64xf32, #tpu.memory_space<vmem>>, %arg11: memref<125x64xf32, #tpu.memory_space<vmem>>, %arg12: memref<125x64xf32, #tpu.memory_space<vmem>>, %arg13: memref<125x64xf32, #tpu.memory_space<vmem>>, %arg14: memref<125x64xf32, #tpu.memory_space<vmem>>, %arg15: memref<125x64xf32, #tpu.memory_space<vmem>>, %arg16: memref<10112x64xf32, #tpu.memory_space<vmem_shared>>, %arg17: memref<!tpu.dma_semaphore, #tpu.memory_space<semaphore_mem>>, %arg18: memref<!tpu.dma_semaphore, #tpu.memory_space<semaphore_mem>>, %arg19: memref<!tpu.dma_semaphore, #tpu.memory_space<semaphore_mem>>, %arg20: memref<!tpu.dma_semaphore, #tpu.memory_space<semaphore_mem>>, %arg21: memref<!tpu.dma_semaphore, #tpu.memory_space<semaphore_mem>>, %arg22: memref<!tpu.dma_semaphore, #tpu.memory_space<semaphore_mem>>, %arg23: memref<!tpu.dma_semaphore, #tpu.memory_space<semaphore_mem>>, %arg24: memref<!tpu.dma_semaphore, #tpu.memory_space<semaphore_mem>>) attributes {dimension_semantics = [#tpu.dimension_semantics<core_parallel>, #tpu.dimension_semantics<subcore_parallel>], iteration_bounds = array<i64: 2, 16>, scalar_prefetch = 0 : i64, scratch_operands = 19 : i64, tpu.core_type = #tpu.core_type<sc_vector_subcore>, window_params = [{transform_indices = #map}, {transform_indices = #map1}, {transform_indices = #map}, {transform_indices = #map2}]} {
    %mul3A = arith.constant 2 : i32
    %mul3A_0 = arith.muli %arg1, %mul3A : i32
    %add3A = arith.addi %mul3A_0, %arg0 : i32
    %mul3A_1 = arith.constant 632 : i32
    %mul3A_2 = arith.muli %arg1, %mul3A_1 : i32
    %run_scoped3A = arith.constant 0 : i32
    "tpu.region"() ({
      %run_scoped3A_65 = tpu.sem_alloc : memref<!tpu.dma_semaphore, #tpu.memory_space<semaphore_mem>>
      %dma_start3A_66 = arith.constant 0 : i32
      %dma_start3A_67 = arith.constant 0 : i32
      %dma_start3A_68 = tpu.memref_slice %arg3[%run_scoped3A, %add3A, %dma_start3A_66, %dma_start3A_67] : memref<2x32x80x125xi32, #tpu.memory_space<hbm>> -> memref<1x1x80x125xi32, #tpu.memory_space<hbm>>
      %dma_start3A_69 = tpu.memref_squeeze %dma_start3A_68 : memref<1x1x80x125xi32, #tpu.memory_space<hbm>> -> memref<80x125xi32, #tpu.memory_space<hbm>>
      %dma_start3A_70 = arith.constant 0 : i32
      %dma_start3A_71 = arith.constant 0 : i32
      %dma_start3A_72 = tpu.memref_slice %arg3[%run_scoped3A, %add3A, %dma_start3A_70, %dma_start3A_71] : memref<2x32x80x125xi32, #tpu.memory_space<hbm>> -> memref<1x1x80x125xi32, #tpu.memory_space<hbm>>
      %dma_start3A_73 = tpu.memref_squeeze %dma_start3A_72 : memref<1x1x80x125xi32, #tpu.memory_space<hbm>> -> memref<80x125xi32, #tpu.memory_space<hbm>>
      tpu.enqueue_dma source(%dma_start3A_73 : memref<80x125xi32, #tpu.memory_space<hbm>>) target(%arg6 : memref<80x125xi32, #tpu.memory_space<vmem>>) target_semaphore(%run_scoped3A_65 : memref<!tpu.dma_semaphore, #tpu.memory_space<semaphore_mem>>)
      %dma_wait3A = arith.constant 0 : i32
      %dma_wait3A_74 = arith.constant 0 : i32
      %dma_wait3A_75 = tpu.memref_slice %arg3[%run_scoped3A, %add3A, %dma_wait3A, %dma_wait3A_74] : memref<2x32x80x125xi32, #tpu.memory_space<hbm>> -> memref<1x1x80x125xi32, #tpu.memory_space<hbm>>
      %dma_wait3A_76 = tpu.memref_squeeze %dma_wait3A_75 : memref<1x1x80x125xi32, #tpu.memory_space<hbm>> -> memref<80x125xi32, #tpu.memory_space<hbm>>
      %dma_wait3A_77 = arith.constant 0 : i32
      %dma_wait3A_78 = arith.constant 0 : i32
      %dma_wait3A_79 = tpu.memref_slice %arg3[%run_scoped3A, %add3A, %dma_wait3A_77, %dma_wait3A_78] : memref<2x32x80x125xi32, #tpu.memory_space<hbm>> -> memref<1x1x80x125xi32, #tpu.memory_space<hbm>>
      %dma_wait3A_80 = tpu.memref_squeeze %dma_wait3A_79 : memref<1x1x80x125xi32, #tpu.memory_space<hbm>> -> memref<80x125xi32, #tpu.memory_space<hbm>>
      tpu.wait_dma2 semaphore(%run_scoped3A_65 : memref<!tpu.dma_semaphore, #tpu.memory_space<semaphore_mem>>) src(%dma_wait3A_80 : memref<80x125xi32, #tpu.memory_space<hbm>>) dst(%arg6 : memref<80x125xi32, #tpu.memory_space<vmem>>)
      tpu.yield
    }) : () -> ()
    %run_scoped3A_3 = arith.constant 1 : i32
    "tpu.region"() ({
      %run_scoped3A_65 = tpu.sem_alloc : memref<!tpu.dma_semaphore, #tpu.memory_space<semaphore_mem>>
      %dma_start3A_66 = arith.constant 0 : i32
      %dma_start3A_67 = arith.constant 0 : i32
      %dma_start3A_68 = tpu.memref_slice %arg3[%run_scoped3A_3, %add3A, %dma_start3A_66, %dma_start3A_67] : memref<2x32x80x125xi32, #tpu.memory_space<hbm>> -> memref<1x1x80x125xi32, #tpu.memory_space<hbm>>
      %dma_start3A_69 = tpu.memref_squeeze %dma_start3A_68 : memref<1x1x80x125xi32, #tpu.memory_space<hbm>> -> memref<80x125xi32, #tpu.memory_space<hbm>>
      %dma_start3A_70 = arith.constant 0 : i32
      %dma_start3A_71 = arith.constant 0 : i32
      %dma_start3A_72 = tpu.memref_slice %arg3[%run_scoped3A_3, %add3A, %dma_start3A_70, %dma_start3A_71] : memref<2x32x80x125xi32, #tpu.memory_space<hbm>> -> memref<1x1x80x125xi32, #tpu.memory_space<hbm>>
      %dma_start3A_73 = tpu.memref_squeeze %dma_start3A_72 : memref<1x1x80x125xi32, #tpu.memory_space<hbm>> -> memref<80x125xi32, #tpu.memory_space<hbm>>
      tpu.enqueue_dma source(%dma_start3A_73 : memref<80x125xi32, #tpu.memory_space<hbm>>) target(%arg7 : memref<80x125xi32, #tpu.memory_space<vmem>>) target_semaphore(%run_scoped3A_65 : memref<!tpu.dma_semaphore, #tpu.memory_space<semaphore_mem>>)
      %dma_wait3A = arith.constant 0 : i32
      %dma_wait3A_74 = arith.constant 0 : i32
      %dma_wait3A_75 = tpu.memref_slice %arg3[%run_scoped3A_3, %add3A, %dma_wait3A, %dma_wait3A_74] : memref<2x32x80x125xi32, #tpu.memory_space<hbm>> -> memref<1x1x80x125xi32, #tpu.memory_space<hbm>>
      %dma_wait3A_76 = tpu.memref_squeeze %dma_wait3A_75 : memref<1x1x80x125xi32, #tpu.memory_space<hbm>> -> memref<80x125xi32, #tpu.memory_space<hbm>>
      %dma_wait3A_77 = arith.constant 0 : i32
      %dma_wait3A_78 = arith.constant 0 : i32
      %dma_wait3A_79 = tpu.memref_slice %arg3[%run_scoped3A_3, %add3A, %dma_wait3A_77, %dma_wait3A_78] : memref<2x32x80x125xi32, #tpu.memory_space<hbm>> -> memref<1x1x80x125xi32, #tpu.memory_space<hbm>>
      %dma_wait3A_80 = tpu.memref_squeeze %dma_wait3A_79 : memref<1x1x80x125xi32, #tpu.memory_space<hbm>> -> memref<80x125xi32, #tpu.memory_space<hbm>>
      tpu.wait_dma2 semaphore(%run_scoped3A_65 : memref<!tpu.dma_semaphore, #tpu.memory_space<semaphore_mem>>) src(%dma_wait3A_80 : memref<80x125xi32, #tpu.memory_space<hbm>>) dst(%arg7 : memref<80x125xi32, #tpu.memory_space<vmem>>)
      tpu.yield
    }) : () -> ()
    "tpu.region"() ({
      %run_scoped3A_65 = tpu.sem_alloc : memref<!tpu.dma_semaphore, #tpu.memory_space<semaphore_mem>>
      %dma_start3A_66 = arith.constant 0 : i32
      %dma_start3A_67 = tpu.memref_slice %arg16[%mul3A_2, %dma_start3A_66] : memref<10112x64xf32, #tpu.memory_space<vmem_shared>> -> memref<632x64xf32, #tpu.memory_space<vmem_shared>>
      %dma_start3A_68 = arith.constant 0 : i32
      %dma_start3A_69 = tpu.memref_slice %arg4[%mul3A_2, %dma_start3A_68] : memref<10112x64xf32, #tpu.memory_space<hbm>> -> memref<632x64xf32, #tpu.memory_space<hbm>>
      tpu.enqueue_dma source(%dma_start3A_69 : memref<632x64xf32, #tpu.memory_space<hbm>>) target(%dma_start3A_67 : memref<632x64xf32, #tpu.memory_space<vmem_shared>>) target_semaphore(%run_scoped3A_65 : memref<!tpu.dma_semaphore, #tpu.memory_space<semaphore_mem>>)
      %dma_wait3A = arith.constant 0 : i32
      %dma_wait3A_70 = tpu.memref_slice %arg16[%mul3A_2, %dma_wait3A] : memref<10112x64xf32, #tpu.memory_space<vmem_shared>> -> memref<632x64xf32, #tpu.memory_space<vmem_shared>>
      %dma_wait3A_71 = arith.constant 0 : i32
      %dma_wait3A_72 = tpu.memref_slice %arg4[%mul3A_2, %dma_wait3A_71] : memref<10112x64xf32, #tpu.memory_space<hbm>> -> memref<632x64xf32, #tpu.memory_space<hbm>>
      tpu.wait_dma2 semaphore(%run_scoped3A_65 : memref<!tpu.dma_semaphore, #tpu.memory_space<semaphore_mem>>) src(%dma_wait3A_72 : memref<632x64xf32, #tpu.memory_space<hbm>>) dst(%dma_wait3A_70 : memref<632x64xf32, #tpu.memory_space<vmem_shared>>)
      tpu.yield
    }) : () -> ()
    %barrier3A = arith.constant 0 : index
    tpu.barrier barrier_id(%barrier3A)
    %dma_start3A = arith.constant 0 : i32
    %dma_start3A_4 = arith.constant 0 : i32
    %dma_start3A_5 = tpu.memref_slice %arg6[%dma_start3A, %dma_start3A_4] : memref<80x125xi32, #tpu.memory_space<vmem>> -> memref<1x125xi32, #tpu.memory_space<vmem>>
    %dma_start3A_6 = tpu.memref_squeeze %dma_start3A_5 : memref<1x125xi32, #tpu.memory_space<vmem>> -> memref<125xi32, #tpu.memory_space<vmem>>
    %dma_start3A_7 = arith.constant 0 : i32
    %dma_start3A_8 = arith.constant 0 : i32
    %dma_start3A_9 = tpu.memref_slice %arg2[%dma_start3A_7, %dma_start3A_8] : memref<10000x64xf32, #tpu.memory_space<hbm>> -> memref<10000x64xf32, #tpu.memory_space<hbm>>
    tpu.enqueue_indirect_dma source(%dma_start3A_9 : memref<10000x64xf32, #tpu.memory_space<hbm>>) target(%arg8 : memref<125x64xf32, #tpu.memory_space<vmem>>) offsets(%dma_start3A_6 : memref<125xi32, #tpu.memory_space<vmem>>) semaphore(%arg17 : memref<!tpu.dma_semaphore, #tpu.memory_space<semaphore_mem>>)
    %dma_start3A_10 = arith.constant 1 : i32
    %dma_start3A_11 = arith.constant 0 : i32
    %dma_start3A_12 = tpu.memref_slice %arg6[%dma_start3A_10, %dma_start3A_11] : memref<80x125xi32, #tpu.memory_space<vmem>> -> memref<1x125xi32, #tpu.memory_space<vmem>>
    %dma_start3A_13 = tpu.memref_squeeze %dma_start3A_12 : memref<1x125xi32, #tpu.memory_space<vmem>> -> memref<125xi32, #tpu.memory_space<vmem>>
    %dma_start3A_14 = arith.constant 0 : i32
    %dma_start3A_15 = arith.constant 0 : i32
    %dma_start3A_16 = tpu.memref_slice %arg2[%dma_start3A_14, %dma_start3A_15] : memref<10000x64xf32, #tpu.memory_space<hbm>> -> memref<10000x64xf32, #tpu.memory_space<hbm>>
    tpu.enqueue_indirect_dma source(%dma_start3A_16 : memref<10000x64xf32, #tpu.memory_space<hbm>>) target(%arg9 : memref<125x64xf32, #tpu.memory_space<vmem>>) offsets(%dma_start3A_13 : memref<125xi32, #tpu.memory_space<vmem>>) semaphore(%arg18 : memref<!tpu.dma_semaphore, #tpu.memory_space<semaphore_mem>>)
    %dma_start3A_17 = arith.constant 2 : i32
    %dma_start3A_18 = arith.constant 0 : i32
    %dma_start3A_19 = tpu.memref_slice %arg6[%dma_start3A_17, %dma_start3A_18] : memref<80x125xi32, #tpu.memory_space<vmem>> -> memref<1x125xi32, #tpu.memory_space<vmem>>
    %dma_start3A_20 = tpu.memref_squeeze %dma_start3A_19 : memref<1x125xi32, #tpu.memory_space<vmem>> -> memref<125xi32, #tpu.memory_space<vmem>>
    %dma_start3A_21 = arith.constant 0 : i32
    %dma_start3A_22 = arith.constant 0 : i32
    %dma_start3A_23 = tpu.memref_slice %arg2[%dma_start3A_21, %dma_start3A_22] : memref<10000x64xf32, #tpu.memory_space<hbm>> -> memref<10000x64xf32, #tpu.memory_space<hbm>>
    tpu.enqueue_indirect_dma source(%dma_start3A_23 : memref<10000x64xf32, #tpu.memory_space<hbm>>) target(%arg10 : memref<125x64xf32, #tpu.memory_space<vmem>>) offsets(%dma_start3A_20 : memref<125xi32, #tpu.memory_space<vmem>>) semaphore(%arg19 : memref<!tpu.dma_semaphore, #tpu.memory_space<semaphore_mem>>)
    %dma_start3A_24 = arith.constant 3 : i32
    %dma_start3A_25 = arith.constant 0 : i32
    %dma_start3A_26 = tpu.memref_slice %arg6[%dma_start3A_24, %dma_start3A_25] : memref<80x125xi32, #tpu.memory_space<vmem>> -> memref<1x125xi32, #tpu.memory_space<vmem>>
    %dma_start3A_27 = tpu.memref_squeeze %dma_start3A_26 : memref<1x125xi32, #tpu.memory_space<vmem>> -> memref<125xi32, #tpu.memory_space<vmem>>
    %dma_start3A_28 = arith.constant 0 : i32
    %dma_start3A_29 = arith.constant 0 : i32
    %dma_start3A_30 = tpu.memref_slice %arg2[%dma_start3A_28, %dma_start3A_29] : memref<10000x64xf32, #tpu.memory_space<hbm>> -> memref<10000x64xf32, #tpu.memory_space<hbm>>
    tpu.enqueue_indirect_dma source(%dma_start3A_30 : memref<10000x64xf32, #tpu.memory_space<hbm>>) target(%arg11 : memref<125x64xf32, #tpu.memory_space<vmem>>) offsets(%dma_start3A_27 : memref<125xi32, #tpu.memory_space<vmem>>) semaphore(%arg20 : memref<!tpu.dma_semaphore, #tpu.memory_space<semaphore_mem>>)
    %dma_start3A_31 = arith.constant 4 : i32
    %dma_start3A_32 = arith.constant 0 : i32
    %dma_start3A_33 = tpu.memref_slice %arg6[%dma_start3A_31, %dma_start3A_32] : memref<80x125xi32, #tpu.memory_space<vmem>> -> memref<1x125xi32, #tpu.memory_space<vmem>>
    %dma_start3A_34 = tpu.memref_squeeze %dma_start3A_33 : memref<1x125xi32, #tpu.memory_space<vmem>> -> memref<125xi32, #tpu.memory_space<vmem>>
    %dma_start3A_35 = arith.constant 0 : i32
    %dma_start3A_36 = arith.constant 0 : i32
    %dma_start3A_37 = tpu.memref_slice %arg2[%dma_start3A_35, %dma_start3A_36] : memref<10000x64xf32, #tpu.memory_space<hbm>> -> memref<10000x64xf32, #tpu.memory_space<hbm>>
    tpu.enqueue_indirect_dma source(%dma_start3A_37 : memref<10000x64xf32, #tpu.memory_space<hbm>>) target(%arg12 : memref<125x64xf32, #tpu.memory_space<vmem>>) offsets(%dma_start3A_34 : memref<125xi32, #tpu.memory_space<vmem>>) semaphore(%arg21 : memref<!tpu.dma_semaphore, #tpu.memory_space<semaphore_mem>>)
    %dma_start3A_38 = arith.constant 5 : i32
    %dma_start3A_39 = arith.constant 0 : i32
    %dma_start3A_40 = tpu.memref_slice %arg6[%dma_start3A_38, %dma_start3A_39] : memref<80x125xi32, #tpu.memory_space<vmem>> -> memref<1x125xi32, #tpu.memory_space<vmem>>
    %dma_start3A_41 = tpu.memref_squeeze %dma_start3A_40 : memref<1x125xi32, #tpu.memory_space<vmem>> -> memref<125xi32, #tpu.memory_space<vmem>>
    %dma_start3A_42 = arith.constant 0 : i32
    %dma_start3A_43 = arith.constant 0 : i32
    %dma_start3A_44 = tpu.memref_slice %arg2[%dma_start3A_42, %dma_start3A_43] : memref<10000x64xf32, #tpu.memory_space<hbm>> -> memref<10000x64xf32, #tpu.memory_space<hbm>>
    tpu.enqueue_indirect_dma source(%dma_start3A_44 : memref<10000x64xf32, #tpu.memory_space<hbm>>) target(%arg13 : memref<125x64xf32, #tpu.memory_space<vmem>>) offsets(%dma_start3A_41 : memref<125xi32, #tpu.memory_space<vmem>>) semaphore(%arg22 : memref<!tpu.dma_semaphore, #tpu.memory_space<semaphore_mem>>)
    %dma_start3A_45 = arith.constant 6 : i32
    %dma_start3A_46 = arith.constant 0 : i32
    %dma_start3A_47 = tpu.memref_slice %arg6[%dma_start3A_45, %dma_start3A_46] : memref<80x125xi32, #tpu.memory_space<vmem>> -> memref<1x125xi32, #tpu.memory_space<vmem>>
    %dma_start3A_48 = tpu.memref_squeeze %dma_start3A_47 : memref<1x125xi32, #tpu.memory_space<vmem>> -> memref<125xi32, #tpu.memory_space<vmem>>
    %dma_start3A_49 = arith.constant 0 : i32
    %dma_start3A_50 = arith.constant 0 : i32
    %dma_start3A_51 = tpu.memref_slice %arg2[%dma_start3A_49, %dma_start3A_50] : memref<10000x64xf32, #tpu.memory_space<hbm>> -> memref<10000x64xf32, #tpu.memory_space<hbm>>
    tpu.enqueue_indirect_dma source(%dma_start3A_51 : memref<10000x64xf32, #tpu.memory_space<hbm>>) target(%arg14 : memref<125x64xf32, #tpu.memory_space<vmem>>) offsets(%dma_start3A_48 : memref<125xi32, #tpu.memory_space<vmem>>) semaphore(%arg23 : memref<!tpu.dma_semaphore, #tpu.memory_space<semaphore_mem>>)
    %dma_start3A_52 = arith.constant 7 : i32
    %dma_start3A_53 = arith.constant 0 : i32
    %dma_start3A_54 = tpu.memref_slice %arg6[%dma_start3A_52, %dma_start3A_53] : memref<80x125xi32, #tpu.memory_space<vmem>> -> memref<1x125xi32, #tpu.memory_space<vmem>>
    %dma_start3A_55 = tpu.memref_squeeze %dma_start3A_54 : memref<1x125xi32, #tpu.memory_space<vmem>> -> memref<125xi32, #tpu.memory_space<vmem>>
    %dma_start3A_56 = arith.constant 0 : i32
    %dma_start3A_57 = arith.constant 0 : i32
    %dma_start3A_58 = tpu.memref_slice %arg2[%dma_start3A_56, %dma_start3A_57] : memref<10000x64xf32, #tpu.memory_space<hbm>> -> memref<10000x64xf32, #tpu.memory_space<hbm>>
    tpu.enqueue_indirect_dma source(%dma_start3A_58 : memref<10000x64xf32, #tpu.memory_space<hbm>>) target(%arg15 : memref<125x64xf32, #tpu.memory_space<vmem>>) offsets(%dma_start3A_55 : memref<125xi32, #tpu.memory_space<vmem>>) semaphore(%arg24 : memref<!tpu.dma_semaphore, #tpu.memory_space<semaphore_mem>>)
    %scan3A = arith.constant 0 : i32
    %scan3A_59 = arith.constant 0 : i32
    %scan3A_60 = arith.constant 10 : i32
    %scan3A_61 = arith.addi %scan3A_59, %scan3A_60 : i32
    %scan3A_62 = arith.constant 1 : i32
    scf.for %scan3A_65 = %scan3A_59 to %scan3A_61 step %scan3A_62  : i32 {
      %mul3A_66 = arith.constant 8 : i32
      %mul3A_67 = arith.muli %scan3A_65, %mul3A_66 : i32
      %add3A_68 = arith.constant 0 : i32
      %add3A_69 = arith.addi %mul3A_67, %add3A_68 : i32
      %dma_wait3A = arith.constant 0 : i32
      %dma_wait3A_70 = tpu.memref_slice %arg6[%add3A_69, %dma_wait3A] : memref<80x125xi32, #tpu.memory_space<vmem>> -> memref<1x125xi32, #tpu.memory_space<vmem>>
      %dma_wait3A_71 = tpu.memref_squeeze %dma_wait3A_70 : memref<1x125xi32, #tpu.memory_space<vmem>> -> memref<125xi32, #tpu.memory_space<vmem>>
      %dma_wait3A_72 = arith.constant 0 : i32
      %dma_wait3A_73 = arith.constant 0 : i32
      %dma_wait3A_74 = tpu.memref_slice %arg2[%dma_wait3A_72, %dma_wait3A_73] : memref<10000x64xf32, #tpu.memory_space<hbm>> -> memref<10000x64xf32, #tpu.memory_space<hbm>>
      tpu.wait_indirect_dma semaphore(%arg17 : memref<!tpu.dma_semaphore, #tpu.memory_space<semaphore_mem>>) src(%dma_wait3A_74 : memref<10000x64xf32, #tpu.memory_space<hbm>>) dst(%arg8 : memref<125x64xf32, #tpu.memory_space<vmem>>)
      "tpu.region"() ({
        %run_scoped3A_184 = tpu.sem_alloc : memref<!tpu.dma_semaphore, #tpu.memory_space<semaphore_mem>>
        %dma_start3A_185 = arith.constant 0 : i32
        %dma_start3A_186 = tpu.memref_slice %arg7[%add3A_69, %dma_start3A_185] : memref<80x125xi32, #tpu.memory_space<vmem>> -> memref<1x125xi32, #tpu.memory_space<vmem>>
        %dma_start3A_187 = tpu.memref_squeeze %dma_start3A_186 : memref<1x125xi32, #tpu.memory_space<vmem>> -> memref<125xi32, #tpu.memory_space<vmem>>
        %dma_start3A_188 = arith.constant 0 : i32
        %dma_start3A_189 = arith.constant 0 : i32
        %dma_start3A_190 = tpu.memref_slice %arg16[%dma_start3A_188, %dma_start3A_189] : memref<10112x64xf32, #tpu.memory_space<vmem_shared>> -> memref<10112x64xf32, #tpu.memory_space<vmem_shared>>
        tpu.enqueue_indirect_dma source(%arg8 : memref<125x64xf32, #tpu.memory_space<vmem>>) target(%dma_start3A_190 : memref<10112x64xf32, #tpu.memory_space<vmem_shared>>) offsets(%dma_start3A_187 : memref<125xi32, #tpu.memory_space<vmem>>) semaphore(%run_scoped3A_184 : memref<!tpu.dma_semaphore, #tpu.memory_space<semaphore_mem>>) {add = true}
        %dma_wait3A_191 = arith.constant 0 : i32
        %dma_wait3A_192 = tpu.memref_slice %arg7[%add3A_69, %dma_wait3A_191] : memref<80x125xi32, #tpu.memory_space<vmem>> -> memref<1x125xi32, #tpu.memory_space<vmem>>
        %dma_wait3A_193 = tpu.memref_squeeze %dma_wait3A_192 : memref<1x125xi32, #tpu.memory_space<vmem>> -> memref<125xi32, #tpu.memory_space<vmem>>
        %dma_wait3A_194 = arith.constant 0 : i32
        %dma_wait3A_195 = arith.constant 0 : i32
        %dma_wait3A_196 = tpu.memref_slice %arg16[%dma_wait3A_194, %dma_wait3A_195] : memref<10112x64xf32, #tpu.memory_space<vmem_shared>> -> memref<10112x64xf32, #tpu.memory_space<vmem_shared>>
        tpu.wait_indirect_dma semaphore(%run_scoped3A_184 : memref<!tpu.dma_semaphore, #tpu.memory_space<semaphore_mem>>) src(%arg8 : memref<125x64xf32, #tpu.memory_space<vmem>>) dst(%dma_wait3A_196 : memref<10112x64xf32, #tpu.memory_space<vmem_shared>>)
        tpu.yield
      }) : () -> ()
      %add3A_75 = arith.constant 8 : i32
      %add3A_76 = arith.addi %add3A_69, %add3A_75 : i32
      %lt3A = arith.constant 80 : i32
      %lt3A_77 = arith.cmpi slt, %add3A_76, %lt3A : i32
      %convert_element_type3A = arith.extui %lt3A_77 : i1 to i32
      %cond3A = arith.constant 0 : i32
      %cond3A_78 = arith.cmpi ne, %convert_element_type3A, %cond3A : i32
      scf.if %cond3A_78 {
        %dma_start3A_184 = arith.constant 0 : i32
        %dma_start3A_185 = tpu.memref_slice %arg6[%add3A_76, %dma_start3A_184] : memref<80x125xi32, #tpu.memory_space<vmem>> -> memref<1x125xi32, #tpu.memory_space<vmem>>
        %dma_start3A_186 = tpu.memref_squeeze %dma_start3A_185 : memref<1x125xi32, #tpu.memory_space<vmem>> -> memref<125xi32, #tpu.memory_space<vmem>>
        %dma_start3A_187 = arith.constant 0 : i32
        %dma_start3A_188 = arith.constant 0 : i32
        %dma_start3A_189 = tpu.memref_slice %arg2[%dma_start3A_187, %dma_start3A_188] : memref<10000x64xf32, #tpu.memory_space<hbm>> -> memref<10000x64xf32, #tpu.memory_space<hbm>>
        tpu.enqueue_indirect_dma source(%dma_start3A_189 : memref<10000x64xf32, #tpu.memory_space<hbm>>) target(%arg8 : memref<125x64xf32, #tpu.memory_space<vmem>>) offsets(%dma_start3A_186 : memref<125xi32, #tpu.memory_space<vmem>>) semaphore(%arg17 : memref<!tpu.dma_semaphore, #tpu.memory_space<semaphore_mem>>)
      } else {
      }
      %add3A_79 = arith.constant 1 : i32
      %add3A_80 = arith.addi %mul3A_67, %add3A_79 : i32
      %dma_wait3A_81 = arith.constant 0 : i32
      %dma_wait3A_82 = tpu.memref_slice %arg6[%add3A_80, %dma_wait3A_81] : memref<80x125xi32, #tpu.memory_space<vmem>> -> memref<1x125xi32, #tpu.memory_space<vmem>>
      %dma_wait3A_83 = tpu.memref_squeeze %dma_wait3A_82 : memref<1x125xi32, #tpu.memory_space<vmem>> -> memref<125xi32, #tpu.memory_space<vmem>>
      %dma_wait3A_84 = arith.constant 0 : i32
      %dma_wait3A_85 = arith.constant 0 : i32
      %dma_wait3A_86 = tpu.memref_slice %arg2[%dma_wait3A_84, %dma_wait3A_85] : memref<10000x64xf32, #tpu.memory_space<hbm>> -> memref<10000x64xf32, #tpu.memory_space<hbm>>
      tpu.wait_indirect_dma semaphore(%arg18 : memref<!tpu.dma_semaphore, #tpu.memory_space<semaphore_mem>>) src(%dma_wait3A_86 : memref<10000x64xf32, #tpu.memory_space<hbm>>) dst(%arg9 : memref<125x64xf32, #tpu.memory_space<vmem>>)
      "tpu.region"() ({
        %run_scoped3A_184 = tpu.sem_alloc : memref<!tpu.dma_semaphore, #tpu.memory_space<semaphore_mem>>
        %dma_start3A_185 = arith.constant 0 : i32
        %dma_start3A_186 = tpu.memref_slice %arg7[%add3A_80, %dma_start3A_185] : memref<80x125xi32, #tpu.memory_space<vmem>> -> memref<1x125xi32, #tpu.memory_space<vmem>>
        %dma_start3A_187 = tpu.memref_squeeze %dma_start3A_186 : memref<1x125xi32, #tpu.memory_space<vmem>> -> memref<125xi32, #tpu.memory_space<vmem>>
        %dma_start3A_188 = arith.constant 0 : i32
        %dma_start3A_189 = arith.constant 0 : i32
        %dma_start3A_190 = tpu.memref_slice %arg16[%dma_start3A_188, %dma_start3A_189] : memref<10112x64xf32, #tpu.memory_space<vmem_shared>> -> memref<10112x64xf32, #tpu.memory_space<vmem_shared>>
        tpu.enqueue_indirect_dma source(%arg9 : memref<125x64xf32, #tpu.memory_space<vmem>>) target(%dma_start3A_190 : memref<10112x64xf32, #tpu.memory_space<vmem_shared>>) offsets(%dma_start3A_187 : memref<125xi32, #tpu.memory_space<vmem>>) semaphore(%run_scoped3A_184 : memref<!tpu.dma_semaphore, #tpu.memory_space<semaphore_mem>>) {add = true}
        %dma_wait3A_191 = arith.constant 0 : i32
        %dma_wait3A_192 = tpu.memref_slice %arg7[%add3A_80, %dma_wait3A_191] : memref<80x125xi32, #tpu.memory_space<vmem>> -> memref<1x125xi32, #tpu.memory_space<vmem>>
        %dma_wait3A_193 = tpu.memref_squeeze %dma_wait3A_192 : memref<1x125xi32, #tpu.memory_space<vmem>> -> memref<125xi32, #tpu.memory_space<vmem>>
        %dma_wait3A_194 = arith.constant 0 : i32
        %dma_wait3A_195 = arith.constant 0 : i32
        %dma_wait3A_196 = tpu.memref_slice %arg16[%dma_wait3A_194, %dma_wait3A_195] : memref<10112x64xf32, #tpu.memory_space<vmem_shared>> -> memref<10112x64xf32, #tpu.memory_space<vmem_shared>>
        tpu.wait_indirect_dma semaphore(%run_scoped3A_184 : memref<!tpu.dma_semaphore, #tpu.memory_space<semaphore_mem>>) src(%arg9 : memref<125x64xf32, #tpu.memory_space<vmem>>) dst(%dma_wait3A_196 : memref<10112x64xf32, #tpu.memory_space<vmem_shared>>)
        tpu.yield
      }) : () -> ()
      %add3A_87 = arith.constant 8 : i32
      %add3A_88 = arith.addi %add3A_80, %add3A_87 : i32
      %lt3A_89 = arith.constant 80 : i32
      %lt3A_90 = arith.cmpi slt, %add3A_88, %lt3A_89 : i32
      %convert_element_type3A_91 = arith.extui %lt3A_90 : i1 to i32
      %cond3A_92 = arith.constant 0 : i32
      %cond3A_93 = arith.cmpi ne, %convert_element_type3A_91, %cond3A_92 : i32
      scf.if %cond3A_93 {
        %dma_start3A_184 = arith.constant 0 : i32
        %dma_start3A_185 = tpu.memref_slice %arg6[%add3A_88, %dma_start3A_184] : memref<80x125xi32, #tpu.memory_space<vmem>> -> memref<1x125xi32, #tpu.memory_space<vmem>>
        %dma_start3A_186 = tpu.memref_squeeze %dma_start3A_185 : memref<1x125xi32, #tpu.memory_space<vmem>> -> memref<125xi32, #tpu.memory_space<vmem>>
        %dma_start3A_187 = arith.constant 0 : i32
        %dma_start3A_188 = arith.constant 0 : i32
        %dma_start3A_189 = tpu.memref_slice %arg2[%dma_start3A_187, %dma_start3A_188] : memref<10000x64xf32, #tpu.memory_space<hbm>> -> memref<10000x64xf32, #tpu.memory_space<hbm>>
        tpu.enqueue_indirect_dma source(%dma_start3A_189 : memref<10000x64xf32, #tpu.memory_space<hbm>>) target(%arg9 : memref<125x64xf32, #tpu.memory_space<vmem>>) offsets(%dma_start3A_186 : memref<125xi32, #tpu.memory_space<vmem>>) semaphore(%arg18 : memref<!tpu.dma_semaphore, #tpu.memory_space<semaphore_mem>>)
      } else {
      }
      %add3A_94 = arith.constant 2 : i32
      %add3A_95 = arith.addi %mul3A_67, %add3A_94 : i32
      %dma_wait3A_96 = arith.constant 0 : i32
      %dma_wait3A_97 = tpu.memref_slice %arg6[%add3A_95, %dma_wait3A_96] : memref<80x125xi32, #tpu.memory_space<vmem>> -> memref<1x125xi32, #tpu.memory_space<vmem>>
      %dma_wait3A_98 = tpu.memref_squeeze %dma_wait3A_97 : memref<1x125xi32, #tpu.memory_space<vmem>> -> memref<125xi32, #tpu.memory_space<vmem>>
      %dma_wait3A_99 = arith.constant 0 : i32
      %dma_wait3A_100 = arith.constant 0 : i32
      %dma_wait3A_101 = tpu.memref_slice %arg2[%dma_wait3A_99, %dma_wait3A_100] : memref<10000x64xf32, #tpu.memory_space<hbm>> -> memref<10000x64xf32, #tpu.memory_space<hbm>>
      tpu.wait_indirect_dma semaphore(%arg19 : memref<!tpu.dma_semaphore, #tpu.memory_space<semaphore_mem>>) src(%dma_wait3A_101 : memref<10000x64xf32, #tpu.memory_space<hbm>>) dst(%arg10 : memref<125x64xf32, #tpu.memory_space<vmem>>)
      "tpu.region"() ({
        %run_scoped3A_184 = tpu.sem_alloc : memref<!tpu.dma_semaphore, #tpu.memory_space<semaphore_mem>>
        %dma_start3A_185 = arith.constant 0 : i32
        %dma_start3A_186 = tpu.memref_slice %arg7[%add3A_95, %dma_start3A_185] : memref<80x125xi32, #tpu.memory_space<vmem>> -> memref<1x125xi32, #tpu.memory_space<vmem>>
        %dma_start3A_187 = tpu.memref_squeeze %dma_start3A_186 : memref<1x125xi32, #tpu.memory_space<vmem>> -> memref<125xi32, #tpu.memory_space<vmem>>
        %dma_start3A_188 = arith.constant 0 : i32
        %dma_start3A_189 = arith.constant 0 : i32
        %dma_start3A_190 = tpu.memref_slice %arg16[%dma_start3A_188, %dma_start3A_189] : memref<10112x64xf32, #tpu.memory_space<vmem_shared>> -> memref<10112x64xf32, #tpu.memory_space<vmem_shared>>
        tpu.enqueue_indirect_dma source(%arg10 : memref<125x64xf32, #tpu.memory_space<vmem>>) target(%dma_start3A_190 : memref<10112x64xf32, #tpu.memory_space<vmem_shared>>) offsets(%dma_start3A_187 : memref<125xi32, #tpu.memory_space<vmem>>) semaphore(%run_scoped3A_184 : memref<!tpu.dma_semaphore, #tpu.memory_space<semaphore_mem>>) {add = true}
        %dma_wait3A_191 = arith.constant 0 : i32
        %dma_wait3A_192 = tpu.memref_slice %arg7[%add3A_95, %dma_wait3A_191] : memref<80x125xi32, #tpu.memory_space<vmem>> -> memref<1x125xi32, #tpu.memory_space<vmem>>
        %dma_wait3A_193 = tpu.memref_squeeze %dma_wait3A_192 : memref<1x125xi32, #tpu.memory_space<vmem>> -> memref<125xi32, #tpu.memory_space<vmem>>
        %dma_wait3A_194 = arith.constant 0 : i32
        %dma_wait3A_195 = arith.constant 0 : i32
        %dma_wait3A_196 = tpu.memref_slice %arg16[%dma_wait3A_194, %dma_wait3A_195] : memref<10112x64xf32, #tpu.memory_space<vmem_shared>> -> memref<10112x64xf32, #tpu.memory_space<vmem_shared>>
        tpu.wait_indirect_dma semaphore(%run_scoped3A_184 : memref<!tpu.dma_semaphore, #tpu.memory_space<semaphore_mem>>) src(%arg10 : memref<125x64xf32, #tpu.memory_space<vmem>>) dst(%dma_wait3A_196 : memref<10112x64xf32, #tpu.memory_space<vmem_shared>>)
        tpu.yield
      }) : () -> ()
      %add3A_102 = arith.constant 8 : i32
      %add3A_103 = arith.addi %add3A_95, %add3A_102 : i32
      %lt3A_104 = arith.constant 80 : i32
      %lt3A_105 = arith.cmpi slt, %add3A_103, %lt3A_104 : i32
      %convert_element_type3A_106 = arith.extui %lt3A_105 : i1 to i32
      %cond3A_107 = arith.constant 0 : i32
      %cond3A_108 = arith.cmpi ne, %convert_element_type3A_106, %cond3A_107 : i32
      scf.if %cond3A_108 {
        %dma_start3A_184 = arith.constant 0 : i32
        %dma_start3A_185 = tpu.memref_slice %arg6[%add3A_103, %dma_start3A_184] : memref<80x125xi32, #tpu.memory_space<vmem>> -> memref<1x125xi32, #tpu.memory_space<vmem>>
        %dma_start3A_186 = tpu.memref_squeeze %dma_start3A_185 : memref<1x125xi32, #tpu.memory_space<vmem>> -> memref<125xi32, #tpu.memory_space<vmem>>
        %dma_start3A_187 = arith.constant 0 : i32
        %dma_start3A_188 = arith.constant 0 : i32
        %dma_start3A_189 = tpu.memref_slice %arg2[%dma_start3A_187, %dma_start3A_188] : memref<10000x64xf32, #tpu.memory_space<hbm>> -> memref<10000x64xf32, #tpu.memory_space<hbm>>
        tpu.enqueue_indirect_dma source(%dma_start3A_189 : memref<10000x64xf32, #tpu.memory_space<hbm>>) target(%arg10 : memref<125x64xf32, #tpu.memory_space<vmem>>) offsets(%dma_start3A_186 : memref<125xi32, #tpu.memory_space<vmem>>) semaphore(%arg19 : memref<!tpu.dma_semaphore, #tpu.memory_space<semaphore_mem>>)
      } else {
      }
      %add3A_109 = arith.constant 3 : i32
      %add3A_110 = arith.addi %mul3A_67, %add3A_109 : i32
      %dma_wait3A_111 = arith.constant 0 : i32
      %dma_wait3A_112 = tpu.memref_slice %arg6[%add3A_110, %dma_wait3A_111] : memref<80x125xi32, #tpu.memory_space<vmem>> -> memref<1x125xi32, #tpu.memory_space<vmem>>
      %dma_wait3A_113 = tpu.memref_squeeze %dma_wait3A_112 : memref<1x125xi32, #tpu.memory_space<vmem>> -> memref<125xi32, #tpu.memory_space<vmem>>
      %dma_wait3A_114 = arith.constant 0 : i32
      %dma_wait3A_115 = arith.constant 0 : i32
      %dma_wait3A_116 = tpu.memref_slice %arg2[%dma_wait3A_114, %dma_wait3A_115] : memref<10000x64xf32, #tpu.memory_space<hbm>> -> memref<10000x64xf32, #tpu.memory_space<hbm>>
      tpu.wait_indirect_dma semaphore(%arg20 : memref<!tpu.dma_semaphore, #tpu.memory_space<semaphore_mem>>) src(%dma_wait3A_116 : memref<10000x64xf32, #tpu.memory_space<hbm>>) dst(%arg11 : memref<125x64xf32, #tpu.memory_space<vmem>>)
      "tpu.region"() ({
        %run_scoped3A_184 = tpu.sem_alloc : memref<!tpu.dma_semaphore, #tpu.memory_space<semaphore_mem>>
        %dma_start3A_185 = arith.constant 0 : i32
        %dma_start3A_186 = tpu.memref_slice %arg7[%add3A_110, %dma_start3A_185] : memref<80x125xi32, #tpu.memory_space<vmem>> -> memref<1x125xi32, #tpu.memory_space<vmem>>
        %dma_start3A_187 = tpu.memref_squeeze %dma_start3A_186 : memref<1x125xi32, #tpu.memory_space<vmem>> -> memref<125xi32, #tpu.memory_space<vmem>>
        %dma_start3A_188 = arith.constant 0 : i32
        %dma_start3A_189 = arith.constant 0 : i32
        %dma_start3A_190 = tpu.memref_slice %arg16[%dma_start3A_188, %dma_start3A_189] : memref<10112x64xf32, #tpu.memory_space<vmem_shared>> -> memref<10112x64xf32, #tpu.memory_space<vmem_shared>>
        tpu.enqueue_indirect_dma source(%arg11 : memref<125x64xf32, #tpu.memory_space<vmem>>) target(%dma_start3A_190 : memref<10112x64xf32, #tpu.memory_space<vmem_shared>>) offsets(%dma_start3A_187 : memref<125xi32, #tpu.memory_space<vmem>>) semaphore(%run_scoped3A_184 : memref<!tpu.dma_semaphore, #tpu.memory_space<semaphore_mem>>) {add = true}
        %dma_wait3A_191 = arith.constant 0 : i32
        %dma_wait3A_192 = tpu.memref_slice %arg7[%add3A_110, %dma_wait3A_191] : memref<80x125xi32, #tpu.memory_space<vmem>> -> memref<1x125xi32, #tpu.memory_space<vmem>>
        %dma_wait3A_193 = tpu.memref_squeeze %dma_wait3A_192 : memref<1x125xi32, #tpu.memory_space<vmem>> -> memref<125xi32, #tpu.memory_space<vmem>>
        %dma_wait3A_194 = arith.constant 0 : i32
        %dma_wait3A_195 = arith.constant 0 : i32
        %dma_wait3A_196 = tpu.memref_slice %arg16[%dma_wait3A_194, %dma_wait3A_195] : memref<10112x64xf32, #tpu.memory_space<vmem_shared>> -> memref<10112x64xf32, #tpu.memory_space<vmem_shared>>
        tpu.wait_indirect_dma semaphore(%run_scoped3A_184 : memref<!tpu.dma_semaphore, #tpu.memory_space<semaphore_mem>>) src(%arg11 : memref<125x64xf32, #tpu.memory_space<vmem>>) dst(%dma_wait3A_196 : memref<10112x64xf32, #tpu.memory_space<vmem_shared>>)
        tpu.yield
      }) : () -> ()
      %add3A_117 = arith.constant 8 : i32
      %add3A_118 = arith.addi %add3A_110, %add3A_117 : i32
      %lt3A_119 = arith.constant 80 : i32
      %lt3A_120 = arith.cmpi slt, %add3A_118, %lt3A_119 : i32
      %convert_element_type3A_121 = arith.extui %lt3A_120 : i1 to i32
      %cond3A_122 = arith.constant 0 : i32
      %cond3A_123 = arith.cmpi ne, %convert_element_type3A_121, %cond3A_122 : i32
      scf.if %cond3A_123 {
        %dma_start3A_184 = arith.constant 0 : i32
        %dma_start3A_185 = tpu.memref_slice %arg6[%add3A_118, %dma_start3A_184] : memref<80x125xi32, #tpu.memory_space<vmem>> -> memref<1x125xi32, #tpu.memory_space<vmem>>
        %dma_start3A_186 = tpu.memref_squeeze %dma_start3A_185 : memref<1x125xi32, #tpu.memory_space<vmem>> -> memref<125xi32, #tpu.memory_space<vmem>>
        %dma_start3A_187 = arith.constant 0 : i32
        %dma_start3A_188 = arith.constant 0 : i32
        %dma_start3A_189 = tpu.memref_slice %arg2[%dma_start3A_187, %dma_start3A_188] : memref<10000x64xf32, #tpu.memory_space<hbm>> -> memref<10000x64xf32, #tpu.memory_space<hbm>>
        tpu.enqueue_indirect_dma source(%dma_start3A_189 : memref<10000x64xf32, #tpu.memory_space<hbm>>) target(%arg11 : memref<125x64xf32, #tpu.memory_space<vmem>>) offsets(%dma_start3A_186 : memref<125xi32, #tpu.memory_space<vmem>>) semaphore(%arg20 : memref<!tpu.dma_semaphore, #tpu.memory_space<semaphore_mem>>)
      } else {
      }
      %add3A_124 = arith.constant 4 : i32
      %add3A_125 = arith.addi %mul3A_67, %add3A_124 : i32
      %dma_wait3A_126 = arith.constant 0 : i32
      %dma_wait3A_127 = tpu.memref_slice %arg6[%add3A_125, %dma_wait3A_126] : memref<80x125xi32, #tpu.memory_space<vmem>> -> memref<1x125xi32, #tpu.memory_space<vmem>>
      %dma_wait3A_128 = tpu.memref_squeeze %dma_wait3A_127 : memref<1x125xi32, #tpu.memory_space<vmem>> -> memref<125xi32, #tpu.memory_space<vmem>>
      %dma_wait3A_129 = arith.constant 0 : i32
      %dma_wait3A_130 = arith.constant 0 : i32
      %dma_wait3A_131 = tpu.memref_slice %arg2[%dma_wait3A_129, %dma_wait3A_130] : memref<10000x64xf32, #tpu.memory_space<hbm>> -> memref<10000x64xf32, #tpu.memory_space<hbm>>
      tpu.wait_indirect_dma semaphore(%arg21 : memref<!tpu.dma_semaphore, #tpu.memory_space<semaphore_mem>>) src(%dma_wait3A_131 : memref<10000x64xf32, #tpu.memory_space<hbm>>) dst(%arg12 : memref<125x64xf32, #tpu.memory_space<vmem>>)
      "tpu.region"() ({
        %run_scoped3A_184 = tpu.sem_alloc : memref<!tpu.dma_semaphore, #tpu.memory_space<semaphore_mem>>
        %dma_start3A_185 = arith.constant 0 : i32
        %dma_start3A_186 = tpu.memref_slice %arg7[%add3A_125, %dma_start3A_185] : memref<80x125xi32, #tpu.memory_space<vmem>> -> memref<1x125xi32, #tpu.memory_space<vmem>>
        %dma_start3A_187 = tpu.memref_squeeze %dma_start3A_186 : memref<1x125xi32, #tpu.memory_space<vmem>> -> memref<125xi32, #tpu.memory_space<vmem>>
        %dma_start3A_188 = arith.constant 0 : i32
        %dma_start3A_189 = arith.constant 0 : i32
        %dma_start3A_190 = tpu.memref_slice %arg16[%dma_start3A_188, %dma_start3A_189] : memref<10112x64xf32, #tpu.memory_space<vmem_shared>> -> memref<10112x64xf32, #tpu.memory_space<vmem_shared>>
        tpu.enqueue_indirect_dma source(%arg12 : memref<125x64xf32, #tpu.memory_space<vmem>>) target(%dma_start3A_190 : memref<10112x64xf32, #tpu.memory_space<vmem_shared>>) offsets(%dma_start3A_187 : memref<125xi32, #tpu.memory_space<vmem>>) semaphore(%run_scoped3A_184 : memref<!tpu.dma_semaphore, #tpu.memory_space<semaphore_mem>>) {add = true}
        %dma_wait3A_191 = arith.constant 0 : i32
        %dma_wait3A_192 = tpu.memref_slice %arg7[%add3A_125, %dma_wait3A_191] : memref<80x125xi32, #tpu.memory_space<vmem>> -> memref<1x125xi32, #tpu.memory_space<vmem>>
        %dma_wait3A_193 = tpu.memref_squeeze %dma_wait3A_192 : memref<1x125xi32, #tpu.memory_space<vmem>> -> memref<125xi32, #tpu.memory_space<vmem>>
        %dma_wait3A_194 = arith.constant 0 : i32
        %dma_wait3A_195 = arith.constant 0 : i32
        %dma_wait3A_196 = tpu.memref_slice %arg16[%dma_wait3A_194, %dma_wait3A_195] : memref<10112x64xf32, #tpu.memory_space<vmem_shared>> -> memref<10112x64xf32, #tpu.memory_space<vmem_shared>>
        tpu.wait_indirect_dma semaphore(%run_scoped3A_184 : memref<!tpu.dma_semaphore, #tpu.memory_space<semaphore_mem>>) src(%arg12 : memref<125x64xf32, #tpu.memory_space<vmem>>) dst(%dma_wait3A_196 : memref<10112x64xf32, #tpu.memory_space<vmem_shared>>)
        tpu.yield
      }) : () -> ()
      %add3A_132 = arith.constant 8 : i32
      %add3A_133 = arith.addi %add3A_125, %add3A_132 : i32
      %lt3A_134 = arith.constant 80 : i32
      %lt3A_135 = arith.cmpi slt, %add3A_133, %lt3A_134 : i32
      %convert_element_type3A_136 = arith.extui %lt3A_135 : i1 to i32
      %cond3A_137 = arith.constant 0 : i32
      %cond3A_138 = arith.cmpi ne, %convert_element_type3A_136, %cond3A_137 : i32
      scf.if %cond3A_138 {
        %dma_start3A_184 = arith.constant 0 : i32
        %dma_start3A_185 = tpu.memref_slice %arg6[%add3A_133, %dma_start3A_184] : memref<80x125xi32, #tpu.memory_space<vmem>> -> memref<1x125xi32, #tpu.memory_space<vmem>>
        %dma_start3A_186 = tpu.memref_squeeze %dma_start3A_185 : memref<1x125xi32, #tpu.memory_space<vmem>> -> memref<125xi32, #tpu.memory_space<vmem>>
        %dma_start3A_187 = arith.constant 0 : i32
        %dma_start3A_188 = arith.constant 0 : i32
        %dma_start3A_189 = tpu.memref_slice %arg2[%dma_start3A_187, %dma_start3A_188] : memref<10000x64xf32, #tpu.memory_space<hbm>> -> memref<10000x64xf32, #tpu.memory_space<hbm>>
        tpu.enqueue_indirect_dma source(%dma_start3A_189 : memref<10000x64xf32, #tpu.memory_space<hbm>>) target(%arg12 : memref<125x64xf32, #tpu.memory_space<vmem>>) offsets(%dma_start3A_186 : memref<125xi32, #tpu.memory_space<vmem>>) semaphore(%arg21 : memref<!tpu.dma_semaphore, #tpu.memory_space<semaphore_mem>>)
      } else {
      }
      %add3A_139 = arith.constant 5 : i32
      %add3A_140 = arith.addi %mul3A_67, %add3A_139 : i32
      %dma_wait3A_141 = arith.constant 0 : i32
      %dma_wait3A_142 = tpu.memref_slice %arg6[%add3A_140, %dma_wait3A_141] : memref<80x125xi32, #tpu.memory_space<vmem>> -> memref<1x125xi32, #tpu.memory_space<vmem>>
      %dma_wait3A_143 = tpu.memref_squeeze %dma_wait3A_142 : memref<1x125xi32, #tpu.memory_space<vmem>> -> memref<125xi32, #tpu.memory_space<vmem>>
      %dma_wait3A_144 = arith.constant 0 : i32
      %dma_wait3A_145 = arith.constant 0 : i32
      %dma_wait3A_146 = tpu.memref_slice %arg2[%dma_wait3A_144, %dma_wait3A_145] : memref<10000x64xf32, #tpu.memory_space<hbm>> -> memref<10000x64xf32, #tpu.memory_space<hbm>>
      tpu.wait_indirect_dma semaphore(%arg22 : memref<!tpu.dma_semaphore, #tpu.memory_space<semaphore_mem>>) src(%dma_wait3A_146 : memref<10000x64xf32, #tpu.memory_space<hbm>>) dst(%arg13 : memref<125x64xf32, #tpu.memory_space<vmem>>)
      "tpu.region"() ({
        %run_scoped3A_184 = tpu.sem_alloc : memref<!tpu.dma_semaphore, #tpu.memory_space<semaphore_mem>>
        %dma_start3A_185 = arith.constant 0 : i32
        %dma_start3A_186 = tpu.memref_slice %arg7[%add3A_140, %dma_start3A_185] : memref<80x125xi32, #tpu.memory_space<vmem>> -> memref<1x125xi32, #tpu.memory_space<vmem>>
        %dma_start3A_187 = tpu.memref_squeeze %dma_start3A_186 : memref<1x125xi32, #tpu.memory_space<vmem>> -> memref<125xi32, #tpu.memory_space<vmem>>
        %dma_start3A_188 = arith.constant 0 : i32
        %dma_start3A_189 = arith.constant 0 : i32
        %dma_start3A_190 = tpu.memref_slice %arg16[%dma_start3A_188, %dma_start3A_189] : memref<10112x64xf32, #tpu.memory_space<vmem_shared>> -> memref<10112x64xf32, #tpu.memory_space<vmem_shared>>
        tpu.enqueue_indirect_dma source(%arg13 : memref<125x64xf32, #tpu.memory_space<vmem>>) target(%dma_start3A_190 : memref<10112x64xf32, #tpu.memory_space<vmem_shared>>) offsets(%dma_start3A_187 : memref<125xi32, #tpu.memory_space<vmem>>) semaphore(%run_scoped3A_184 : memref<!tpu.dma_semaphore, #tpu.memory_space<semaphore_mem>>) {add = true}
        %dma_wait3A_191 = arith.constant 0 : i32
        %dma_wait3A_192 = tpu.memref_slice %arg7[%add3A_140, %dma_wait3A_191] : memref<80x125xi32, #tpu.memory_space<vmem>> -> memref<1x125xi32, #tpu.memory_space<vmem>>
        %dma_wait3A_193 = tpu.memref_squeeze %dma_wait3A_192 : memref<1x125xi32, #tpu.memory_space<vmem>> -> memref<125xi32, #tpu.memory_space<vmem>>
        %dma_wait3A_194 = arith.constant 0 : i32
        %dma_wait3A_195 = arith.constant 0 : i32
        %dma_wait3A_196 = tpu.memref_slice %arg16[%dma_wait3A_194, %dma_wait3A_195] : memref<10112x64xf32, #tpu.memory_space<vmem_shared>> -> memref<10112x64xf32, #tpu.memory_space<vmem_shared>>
        tpu.wait_indirect_dma semaphore(%run_scoped3A_184 : memref<!tpu.dma_semaphore, #tpu.memory_space<semaphore_mem>>) src(%arg13 : memref<125x64xf32, #tpu.memory_space<vmem>>) dst(%dma_wait3A_196 : memref<10112x64xf32, #tpu.memory_space<vmem_shared>>)
        tpu.yield
      }) : () -> ()
      %add3A_147 = arith.constant 8 : i32
      %add3A_148 = arith.addi %add3A_140, %add3A_147 : i32
      %lt3A_149 = arith.constant 80 : i32
      %lt3A_150 = arith.cmpi slt, %add3A_148, %lt3A_149 : i32
      %convert_element_type3A_151 = arith.extui %lt3A_150 : i1 to i32
      %cond3A_152 = arith.constant 0 : i32
      %cond3A_153 = arith.cmpi ne, %convert_element_type3A_151, %cond3A_152 : i32
      scf.if %cond3A_153 {
        %dma_start3A_184 = arith.constant 0 : i32
        %dma_start3A_185 = tpu.memref_slice %arg6[%add3A_148, %dma_start3A_184] : memref<80x125xi32, #tpu.memory_space<vmem>> -> memref<1x125xi32, #tpu.memory_space<vmem>>
        %dma_start3A_186 = tpu.memref_squeeze %dma_start3A_185 : memref<1x125xi32, #tpu.memory_space<vmem>> -> memref<125xi32, #tpu.memory_space<vmem>>
        %dma_start3A_187 = arith.constant 0 : i32
        %dma_start3A_188 = arith.constant 0 : i32
        %dma_start3A_189 = tpu.memref_slice %arg2[%dma_start3A_187, %dma_start3A_188] : memref<10000x64xf32, #tpu.memory_space<hbm>> -> memref<10000x64xf32, #tpu.memory_space<hbm>>
        tpu.enqueue_indirect_dma source(%dma_start3A_189 : memref<10000x64xf32, #tpu.memory_space<hbm>>) target(%arg13 : memref<125x64xf32, #tpu.memory_space<vmem>>) offsets(%dma_start3A_186 : memref<125xi32, #tpu.memory_space<vmem>>) semaphore(%arg22 : memref<!tpu.dma_semaphore, #tpu.memory_space<semaphore_mem>>)
      } else {
      }
      %add3A_154 = arith.constant 6 : i32
      %add3A_155 = arith.addi %mul3A_67, %add3A_154 : i32
      %dma_wait3A_156 = arith.constant 0 : i32
      %dma_wait3A_157 = tpu.memref_slice %arg6[%add3A_155, %dma_wait3A_156] : memref<80x125xi32, #tpu.memory_space<vmem>> -> memref<1x125xi32, #tpu.memory_space<vmem>>
      %dma_wait3A_158 = tpu.memref_squeeze %dma_wait3A_157 : memref<1x125xi32, #tpu.memory_space<vmem>> -> memref<125xi32, #tpu.memory_space<vmem>>
      %dma_wait3A_159 = arith.constant 0 : i32
      %dma_wait3A_160 = arith.constant 0 : i32
      %dma_wait3A_161 = tpu.memref_slice %arg2[%dma_wait3A_159, %dma_wait3A_160] : memref<10000x64xf32, #tpu.memory_space<hbm>> -> memref<10000x64xf32, #tpu.memory_space<hbm>>
      tpu.wait_indirect_dma semaphore(%arg23 : memref<!tpu.dma_semaphore, #tpu.memory_space<semaphore_mem>>) src(%dma_wait3A_161 : memref<10000x64xf32, #tpu.memory_space<hbm>>) dst(%arg14 : memref<125x64xf32, #tpu.memory_space<vmem>>)
      "tpu.region"() ({
        %run_scoped3A_184 = tpu.sem_alloc : memref<!tpu.dma_semaphore, #tpu.memory_space<semaphore_mem>>
        %dma_start3A_185 = arith.constant 0 : i32
        %dma_start3A_186 = tpu.memref_slice %arg7[%add3A_155, %dma_start3A_185] : memref<80x125xi32, #tpu.memory_space<vmem>> -> memref<1x125xi32, #tpu.memory_space<vmem>>
        %dma_start3A_187 = tpu.memref_squeeze %dma_start3A_186 : memref<1x125xi32, #tpu.memory_space<vmem>> -> memref<125xi32, #tpu.memory_space<vmem>>
        %dma_start3A_188 = arith.constant 0 : i32
        %dma_start3A_189 = arith.constant 0 : i32
        %dma_start3A_190 = tpu.memref_slice %arg16[%dma_start3A_188, %dma_start3A_189] : memref<10112x64xf32, #tpu.memory_space<vmem_shared>> -> memref<10112x64xf32, #tpu.memory_space<vmem_shared>>
        tpu.enqueue_indirect_dma source(%arg14 : memref<125x64xf32, #tpu.memory_space<vmem>>) target(%dma_start3A_190 : memref<10112x64xf32, #tpu.memory_space<vmem_shared>>) offsets(%dma_start3A_187 : memref<125xi32, #tpu.memory_space<vmem>>) semaphore(%run_scoped3A_184 : memref<!tpu.dma_semaphore, #tpu.memory_space<semaphore_mem>>) {add = true}
        %dma_wait3A_191 = arith.constant 0 : i32
        %dma_wait3A_192 = tpu.memref_slice %arg7[%add3A_155, %dma_wait3A_191] : memref<80x125xi32, #tpu.memory_space<vmem>> -> memref<1x125xi32, #tpu.memory_space<vmem>>
        %dma_wait3A_193 = tpu.memref_squeeze %dma_wait3A_192 : memref<1x125xi32, #tpu.memory_space<vmem>> -> memref<125xi32, #tpu.memory_space<vmem>>
        %dma_wait3A_194 = arith.constant 0 : i32
        %dma_wait3A_195 = arith.constant 0 : i32
        %dma_wait3A_196 = tpu.memref_slice %arg16[%dma_wait3A_194, %dma_wait3A_195] : memref<10112x64xf32, #tpu.memory_space<vmem_shared>> -> memref<10112x64xf32, #tpu.memory_space<vmem_shared>>
        tpu.wait_indirect_dma semaphore(%run_scoped3A_184 : memref<!tpu.dma_semaphore, #tpu.memory_space<semaphore_mem>>) src(%arg14 : memref<125x64xf32, #tpu.memory_space<vmem>>) dst(%dma_wait3A_196 : memref<10112x64xf32, #tpu.memory_space<vmem_shared>>)
        tpu.yield
      }) : () -> ()
      %add3A_162 = arith.constant 8 : i32
      %add3A_163 = arith.addi %add3A_155, %add3A_162 : i32
      %lt3A_164 = arith.constant 80 : i32
      %lt3A_165 = arith.cmpi slt, %add3A_163, %lt3A_164 : i32
      %convert_element_type3A_166 = arith.extui %lt3A_165 : i1 to i32
      %cond3A_167 = arith.constant 0 : i32
      %cond3A_168 = arith.cmpi ne, %convert_element_type3A_166, %cond3A_167 : i32
      scf.if %cond3A_168 {
        %dma_start3A_184 = arith.constant 0 : i32
        %dma_start3A_185 = tpu.memref_slice %arg6[%add3A_163, %dma_start3A_184] : memref<80x125xi32, #tpu.memory_space<vmem>> -> memref<1x125xi32, #tpu.memory_space<vmem>>
        %dma_start3A_186 = tpu.memref_squeeze %dma_start3A_185 : memref<1x125xi32, #tpu.memory_space<vmem>> -> memref<125xi32, #tpu.memory_space<vmem>>
        %dma_start3A_187 = arith.constant 0 : i32
        %dma_start3A_188 = arith.constant 0 : i32
        %dma_start3A_189 = tpu.memref_slice %arg2[%dma_start3A_187, %dma_start3A_188] : memref<10000x64xf32, #tpu.memory_space<hbm>> -> memref<10000x64xf32, #tpu.memory_space<hbm>>
        tpu.enqueue_indirect_dma source(%dma_start3A_189 : memref<10000x64xf32, #tpu.memory_space<hbm>>) target(%arg14 : memref<125x64xf32, #tpu.memory_space<vmem>>) offsets(%dma_start3A_186 : memref<125xi32, #tpu.memory_space<vmem>>) semaphore(%arg23 : memref<!tpu.dma_semaphore, #tpu.memory_space<semaphore_mem>>)
      } else {
      }
      %add3A_169 = arith.constant 7 : i32
      %add3A_170 = arith.addi %mul3A_67, %add3A_169 : i32
      %dma_wait3A_171 = arith.constant 0 : i32
      %dma_wait3A_172 = tpu.memref_slice %arg6[%add3A_170, %dma_wait3A_171] : memref<80x125xi32, #tpu.memory_space<vmem>> -> memref<1x125xi32, #tpu.memory_space<vmem>>
      %dma_wait3A_173 = tpu.memref_squeeze %dma_wait3A_172 : memref<1x125xi32, #tpu.memory_space<vmem>> -> memref<125xi32, #tpu.memory_space<vmem>>
      %dma_wait3A_174 = arith.constant 0 : i32
      %dma_wait3A_175 = arith.constant 0 : i32
      %dma_wait3A_176 = tpu.memref_slice %arg2[%dma_wait3A_174, %dma_wait3A_175] : memref<10000x64xf32, #tpu.memory_space<hbm>> -> memref<10000x64xf32, #tpu.memory_space<hbm>>
      tpu.wait_indirect_dma semaphore(%arg24 : memref<!tpu.dma_semaphore, #tpu.memory_space<semaphore_mem>>) src(%dma_wait3A_176 : memref<10000x64xf32, #tpu.memory_space<hbm>>) dst(%arg15 : memref<125x64xf32, #tpu.memory_space<vmem>>)
      "tpu.region"() ({
        %run_scoped3A_184 = tpu.sem_alloc : memref<!tpu.dma_semaphore, #tpu.memory_space<semaphore_mem>>
        %dma_start3A_185 = arith.constant 0 : i32
        %dma_start3A_186 = tpu.memref_slice %arg7[%add3A_170, %dma_start3A_185] : memref<80x125xi32, #tpu.memory_space<vmem>> -> memref<1x125xi32, #tpu.memory_space<vmem>>
        %dma_start3A_187 = tpu.memref_squeeze %dma_start3A_186 : memref<1x125xi32, #tpu.memory_space<vmem>> -> memref<125xi32, #tpu.memory_space<vmem>>
        %dma_start3A_188 = arith.constant 0 : i32
        %dma_start3A_189 = arith.constant 0 : i32
        %dma_start3A_190 = tpu.memref_slice %arg16[%dma_start3A_188, %dma_start3A_189] : memref<10112x64xf32, #tpu.memory_space<vmem_shared>> -> memref<10112x64xf32, #tpu.memory_space<vmem_shared>>
        tpu.enqueue_indirect_dma source(%arg15 : memref<125x64xf32, #tpu.memory_space<vmem>>) target(%dma_start3A_190 : memref<10112x64xf32, #tpu.memory_space<vmem_shared>>) offsets(%dma_start3A_187 : memref<125xi32, #tpu.memory_space<vmem>>) semaphore(%run_scoped3A_184 : memref<!tpu.dma_semaphore, #tpu.memory_space<semaphore_mem>>) {add = true}
        %dma_wait3A_191 = arith.constant 0 : i32
        %dma_wait3A_192 = tpu.memref_slice %arg7[%add3A_170, %dma_wait3A_191] : memref<80x125xi32, #tpu.memory_space<vmem>> -> memref<1x125xi32, #tpu.memory_space<vmem>>
        %dma_wait3A_193 = tpu.memref_squeeze %dma_wait3A_192 : memref<1x125xi32, #tpu.memory_space<vmem>> -> memref<125xi32, #tpu.memory_space<vmem>>
        %dma_wait3A_194 = arith.constant 0 : i32
        %dma_wait3A_195 = arith.constant 0 : i32
        %dma_wait3A_196 = tpu.memref_slice %arg16[%dma_wait3A_194, %dma_wait3A_195] : memref<10112x64xf32, #tpu.memory_space<vmem_shared>> -> memref<10112x64xf32, #tpu.memory_space<vmem_shared>>
        tpu.wait_indirect_dma semaphore(%run_scoped3A_184 : memref<!tpu.dma_semaphore, #tpu.memory_space<semaphore_mem>>) src(%arg15 : memref<125x64xf32, #tpu.memory_space<vmem>>) dst(%dma_wait3A_196 : memref<10112x64xf32, #tpu.memory_space<vmem_shared>>)
        tpu.yield
      }) : () -> ()
      %add3A_177 = arith.constant 8 : i32
      %add3A_178 = arith.addi %add3A_170, %add3A_177 : i32
      %lt3A_179 = arith.constant 80 : i32
      %lt3A_180 = arith.cmpi slt, %add3A_178, %lt3A_179 : i32
      %convert_element_type3A_181 = arith.extui %lt3A_180 : i1 to i32
      %cond3A_182 = arith.constant 0 : i32
      %cond3A_183 = arith.cmpi ne, %convert_element_type3A_181, %cond3A_182 : i32
      scf.if %cond3A_183 {
        %dma_start3A_184 = arith.constant 0 : i32
        %dma_start3A_185 = tpu.memref_slice %arg6[%add3A_178, %dma_start3A_184] : memref<80x125xi32, #tpu.memory_space<vmem>> -> memref<1x125xi32, #tpu.memory_space<vmem>>
        %dma_start3A_186 = tpu.memref_squeeze %dma_start3A_185 : memref<1x125xi32, #tpu.memory_space<vmem>> -> memref<125xi32, #tpu.memory_space<vmem>>
        %dma_start3A_187 = arith.constant 0 : i32
        %dma_start3A_188 = arith.constant 0 : i32
        %dma_start3A_189 = tpu.memref_slice %arg2[%dma_start3A_187, %dma_start3A_188] : memref<10000x64xf32, #tpu.memory_space<hbm>> -> memref<10000x64xf32, #tpu.memory_space<hbm>>
        tpu.enqueue_indirect_dma source(%dma_start3A_189 : memref<10000x64xf32, #tpu.memory_space<hbm>>) target(%arg15 : memref<125x64xf32, #tpu.memory_space<vmem>>) offsets(%dma_start3A_186 : memref<125xi32, #tpu.memory_space<vmem>>) semaphore(%arg24 : memref<!tpu.dma_semaphore, #tpu.memory_space<semaphore_mem>>)
      } else {
      }
    }
    %scan3A_63 = arith.constant 10 : i32
    %barrier3A_64 = arith.constant 0 : index
    tpu.barrier barrier_id(%barrier3A_64)
    "tpu.region"() ({
      %run_scoped3A_65 = tpu.sem_alloc : memref<!tpu.dma_semaphore, #tpu.memory_space<semaphore_mem>>
      %dma_start3A_66 = arith.constant 0 : i32
      %dma_start3A_67 = tpu.memref_slice %arg5[%arg0, %mul3A_2, %dma_start3A_66] : memref<2x10112x64xf32, #tpu.memory_space<hbm>> -> memref<1x632x64xf32, #tpu.memory_space<hbm>>
      %dma_start3A_68 = tpu.memref_squeeze %dma_start3A_67 : memref<1x632x64xf32, #tpu.memory_space<hbm>> -> memref<632x64xf32, #tpu.memory_space<hbm>>
      %dma_start3A_69 = arith.constant 0 : i32
      %dma_start3A_70 = tpu.memref_slice %arg16[%mul3A_2, %dma_start3A_69] : memref<10112x64xf32, #tpu.memory_space<vmem_shared>> -> memref<632x64xf32, #tpu.memory_space<vmem_shared>>
      tpu.enqueue_dma source(%dma_start3A_70 : memref<632x64xf32, #tpu.memory_space<vmem_shared>>) target(%dma_start3A_68 : memref<632x64xf32, #tpu.memory_space<hbm>>) target_semaphore(%run_scoped3A_65 : memref<!tpu.dma_semaphore, #tpu.memory_space<semaphore_mem>>)
      %dma_wait3A = arith.constant 0 : i32
      %dma_wait3A_71 = tpu.memref_slice %arg5[%arg0, %mul3A_2, %dma_wait3A] : memref<2x10112x64xf32, #tpu.memory_space<hbm>> -> memref<1x632x64xf32, #tpu.memory_space<hbm>>
      %dma_wait3A_72 = tpu.memref_squeeze %dma_wait3A_71 : memref<1x632x64xf32, #tpu.memory_space<hbm>> -> memref<632x64xf32, #tpu.memory_space<hbm>>
      %dma_wait3A_73 = arith.constant 0 : i32
      %dma_wait3A_74 = tpu.memref_slice %arg16[%mul3A_2, %dma_wait3A_73] : memref<10112x64xf32, #tpu.memory_space<vmem_shared>> -> memref<632x64xf32, #tpu.memory_space<vmem_shared>>
      tpu.wait_dma2 semaphore(%run_scoped3A_65 : memref<!tpu.dma_semaphore, #tpu.memory_space<semaphore_mem>>) src(%dma_wait3A_74 : memref<632x64xf32, #tpu.memory_space<vmem_shared>>) dst(%dma_wait3A_72 : memref<632x64xf32, #tpu.memory_space<hbm>>)
      tpu.yield
    }) : () -> ()
    return
  }
}

module attributes {stable_mosaic.version = 14 : i64} {
  func.func @body(%arg0: i32, %arg1: memref<2000x128xf32, #tpu.memory_space<vmem>>, %arg2: memref<128x64xf32, #tpu.memory_space<vmem>>, %arg3: memref<2000x32xf32, #tpu.memory_space<vmem>>, %arg4: memref<2000x64xf32, #tpu.memory_space<vmem>>) attributes {dimension_semantics = [#tpu.dimension_semantics<arbitrary>], iteration_bounds = array<i64: 5>, scalar_prefetch = 0 : i64, scratch_operands = 0 : i64, tpu.core_type = #tpu.core_type<tc>, window_params = [{transform_indices = @transform_0, window_bounds = array<i64: 2000, 128>}, {pipeline_mode = #tpu.pipeline_mode<synchronous>, transform_indices = @transform_1, window_bounds = array<i64: 128, 64>}, {transform_indices = @transform_2, window_bounds = array<i64: 2000, 32>}, {transform_indices = @transform_3, window_bounds = array<i64: 2000, 64>}]} {
    %get3A = arith.constant 0 : index
    %get3A_0 = arith.constant 0 : index
    %get3A_1 = vector.load %arg3[%get3A, %get3A_0] : memref<2000x32xf32, #tpu.memory_space<vmem>>, vector<2000x32xf32>
    %reduce_sum3A = arith.constant dense<0.000000e+00> : vector<2000xf32>
    %reduce_sum3A_2 = vector.multi_reduction <add>, %get3A_1, %reduce_sum3A [1] : vector<2000x32xf32> to vector<2000xf32>
    %gt3A = arith.constant 0.000000e+00 : f32
    %gt3A_3 = vector.broadcast %gt3A : f32 to vector<2000xf32>
    %gt3A_4 = arith.cmpf ogt, %reduce_sum3A_2, %gt3A_3 : vector<2000xf32>
    %rsqrt3A = math.rsqrt %reduce_sum3A_2 : vector<2000xf32>
    %jit3A = arith.constant 0.000000e+00 : f32
    %broadcast_in_dim3A = vector.broadcast %jit3A : f32 to vector<2000xf32>
    %select_n3A = arith.select %gt3A_4, %rsqrt3A, %broadcast_in_dim3A : vector<2000xi1>, vector<2000xf32>
    %get3A_5 = arith.constant 0 : index
    %get3A_6 = arith.constant 0 : index
    %get3A_7 = vector.load %arg1[%get3A_5, %get3A_6] : memref<2000x128xf32, #tpu.memory_space<vmem>>, vector<2000x128xf32>
    %get3A_8 = arith.constant 0 : index
    %get3A_9 = arith.constant 0 : index
    %get3A_10 = vector.load %arg2[%get3A_8, %get3A_9] : memref<128x64xf32, #tpu.memory_space<vmem>>, vector<128x64xf32>
    %dot_general3A = arith.constant dense<0.000000e+00> : vector<2000x64xf32>
    %dot_general3A_11 = tpu.matmul %get3A_7, %get3A_10, %dot_general3A {dimension_numbers = #tpu.dot_dimension_numbers<[1], [0], [0], [1], [0, 0, 1, 1], [], []>, transpose_lhs_hint = false} : vector<2000x128xf32>, vector<128x64xf32>, vector<2000x64xf32> -> vector<2000x64xf32>
    %broadcast_in_dim3A_12 = vector.shape_cast %select_n3A : vector<2000xf32> to vector<2000x1xf32>
    %mul3A = vector.broadcast %broadcast_in_dim3A_12 : vector<2000x1xf32> to vector<2000x64xf32>
    %mul3A_13 = arith.mulf %dot_general3A_11, %mul3A : vector<2000x64xf32>
    %swap3A = arith.constant 0 : index
    %swap3A_14 = arith.constant 0 : index
    %swap3A_15 = vector.load %arg4[%swap3A, %swap3A_14] : memref<2000x64xf32, #tpu.memory_space<vmem>>, vector<2000x64xf32>
    tpu.vector_store %arg4[%swap3A, %swap3A_14], %mul3A_13 {strides = array<i32>} : memref<2000x64xf32, #tpu.memory_space<vmem>>, vector<2000x64xf32>,
    return
  }
  func.func @transform_0(%arg0: i32) -> (i32, i32) {
    %c0_i32 = arith.constant 0 : i32
    %c0_i32_0 = arith.constant 0 : i32
    return %arg0, %c0_i32 : i32, i32
  }
  func.func @transform_1(%arg0: i32) -> (i32, i32) {
    %c0_i32 = arith.constant 0 : i32
    %c0_i32_0 = arith.constant 0 : i32
    %c0_i32_1 = arith.constant 0 : i32
    return %c0_i32, %c0_i32_0 : i32, i32
  }
  func.func @transform_2(%arg0: i32) -> (i32, i32) {
    %c0_i32 = arith.constant 0 : i32
    %c0_i32_0 = arith.constant 0 : i32
    return %arg0, %c0_i32 : i32, i32
  }
  func.func @transform_3(%arg0: i32) -> (i32, i32) {
    %c0_i32 = arith.constant 0 : i32
    %c0_i32_0 = arith.constant 0 : i32
    return %arg0, %c0_i32 : i32, i32
  }
}

module attributes {stable_mosaic.version = 14 : i64} {
  func.func @body(%arg0: i32, %arg1: memref<2x2528x64xf32, #tpu.memory_space<vmem>>, %arg2: memref<2528x32xf32, #tpu.memory_space<vmem>>, %arg3: memref<1x64xf32, #tpu.memory_space<vmem>>, %arg4: memref<64x64xf32, #tpu.memory_space<vmem>>, %arg5: memref<2528x64xf32, #tpu.memory_space<vmem>>) attributes {dimension_semantics = [#tpu.dimension_semantics<arbitrary>], iteration_bounds = array<i64: 4>, scalar_prefetch = 0 : i64, scratch_operands = 0 : i64, tpu.core_type = #tpu.core_type<tc>, window_params = [{transform_indices = @transform_0, window_bounds = array<i64: 2, 2528, 64>}, {transform_indices = @transform_1, window_bounds = array<i64: 2528, 32>}, {pipeline_mode = #tpu.pipeline_mode<synchronous>, transform_indices = @transform_2, window_bounds = array<i64: 1, 64>}, {pipeline_mode = #tpu.pipeline_mode<synchronous>, transform_indices = @transform_3, window_bounds = array<i64: 64, 64>}, {transform_indices = @transform_4, window_bounds = array<i64: 2528, 64>}]} {
    %get3A = arith.constant 0 : index
    %get3A_0 = arith.constant 0 : index
    %get3A_1 = vector.load %arg2[%get3A, %get3A_0] : memref<2528x32xf32, #tpu.memory_space<vmem>>, vector<2528x32xf32>
    %reduce_sum3A = arith.constant dense<0.000000e+00> : vector<2528xf32>
    %reduce_sum3A_2 = vector.multi_reduction <add>, %get3A_1, %reduce_sum3A [1] : vector<2528x32xf32> to vector<2528xf32>
    %gt3A = arith.constant 0.000000e+00 : f32
    %gt3A_3 = vector.broadcast %gt3A : f32 to vector<2528xf32>
    %gt3A_4 = arith.cmpf ogt, %reduce_sum3A_2, %gt3A_3 : vector<2528xf32>
    %rsqrt3A = math.rsqrt %reduce_sum3A_2 : vector<2528xf32>
    %jit3A = arith.constant 0.000000e+00 : f32
    %broadcast_in_dim3A = vector.broadcast %jit3A : f32 to vector<2528xf32>
    %select_n3A = arith.select %gt3A_4, %rsqrt3A, %broadcast_in_dim3A : vector<2528xi1>, vector<2528xf32>
    %get3A_5 = arith.constant 0 : index
    %get3A_6 = arith.constant 0 : index
    %get3A_7 = arith.constant 0 : index
    %get3A_8 = vector.load %arg1[%get3A_5, %get3A_6, %get3A_7] : memref<2x2528x64xf32, #tpu.memory_space<vmem>>, vector<2x2528x64xf32>
    %slice3A = vector.extract_strided_slice %get3A_8 {offsets = [0, 0, 0], sizes = [1, 2528, 64], strides = [1, 1, 1]} : vector<2x2528x64xf32> to vector<1x2528x64xf32>
    %squeeze3A = vector.shape_cast %slice3A : vector<1x2528x64xf32> to vector<2528x64xf32>
    %slice3A_9 = vector.extract_strided_slice %get3A_8 {offsets = [1, 0, 0], sizes = [1, 2528, 64], strides = [1, 1, 1]} : vector<2x2528x64xf32> to vector<1x2528x64xf32>
    %squeeze3A_10 = vector.shape_cast %slice3A_9 : vector<1x2528x64xf32> to vector<2528x64xf32>
    %add3A = arith.addf %squeeze3A, %squeeze3A_10 : vector<2528x64xf32>
    %broadcast_in_dim3A_11 = vector.shape_cast %select_n3A : vector<2528xf32> to vector<2528x1xf32>
    %mul3A = vector.broadcast %broadcast_in_dim3A_11 : vector<2528x1xf32> to vector<2528x64xf32>
    %mul3A_12 = arith.mulf %add3A, %mul3A : vector<2528x64xf32>
    %get3A_13 = arith.constant 0 : index
    %get3A_14 = arith.constant 0 : index
    %get3A_15 = vector.load %arg3[%get3A_13, %get3A_14] : memref<1x64xf32, #tpu.memory_space<vmem>>, vector<1x64xf32>
    %add3A_16 = vector.broadcast %get3A_15 : vector<1x64xf32> to vector<2528x64xf32>
    %add3A_17 = arith.addf %mul3A_12, %add3A_16 : vector<2528x64xf32>
    %max3A = arith.constant 0.000000e+00 : f32
    %max3A_18 = vector.broadcast %max3A : f32 to vector<2528x64xf32>
    %max3A_19 = arith.maximumf %add3A_17, %max3A_18 : vector<2528x64xf32>
    %get3A_20 = arith.constant 0 : index
    %get3A_21 = arith.constant 0 : index
    %get3A_22 = vector.load %arg4[%get3A_20, %get3A_21] : memref<64x64xf32, #tpu.memory_space<vmem>>, vector<64x64xf32>
    %dot_general3A = arith.constant dense<0.000000e+00> : vector<2528x64xf32>
    %dot_general3A_23 = tpu.matmul %max3A_19, %get3A_22, %dot_general3A {dimension_numbers = #tpu.dot_dimension_numbers<[1], [0], [0], [1], [0, 0, 1, 1], [], []>, transpose_lhs_hint = false} : vector<2528x64xf32>, vector<64x64xf32>, vector<2528x64xf32> -> vector<2528x64xf32>
    %broadcast_in_dim3A_24 = vector.shape_cast %select_n3A : vector<2528xf32> to vector<2528x1xf32>
    %mul3A_25 = vector.broadcast %broadcast_in_dim3A_24 : vector<2528x1xf32> to vector<2528x64xf32>
    %mul3A_26 = arith.mulf %dot_general3A_23, %mul3A_25 : vector<2528x64xf32>
    %swap3A = arith.constant 0 : index
    %swap3A_27 = arith.constant 0 : index
    %swap3A_28 = vector.load %arg5[%swap3A, %swap3A_27] : memref<2528x64xf32, #tpu.memory_space<vmem>>, vector<2528x64xf32>
    tpu.vector_store %arg5[%swap3A, %swap3A_27], %mul3A_26 {strides = array<i32>} : memref<2528x64xf32, #tpu.memory_space<vmem>>, vector<2528x64xf32>,
    return
  }
  func.func @transform_0(%arg0: i32) -> (i32, i32, i32) {
    %c0_i32 = arith.constant 0 : i32
    %c0_i32_0 = arith.constant 0 : i32
    %c0_i32_1 = arith.constant 0 : i32
    return %c0_i32, %arg0, %c0_i32_0 : i32, i32, i32
  }
  func.func @transform_1(%arg0: i32) -> (i32, i32) {
    %c0_i32 = arith.constant 0 : i32
    %c0_i32_0 = arith.constant 0 : i32
    return %arg0, %c0_i32 : i32, i32
  }
  func.func @transform_2(%arg0: i32) -> (i32, i32) {
    %c0_i32 = arith.constant 0 : i32
    %c0_i32_0 = arith.constant 0 : i32
    %c0_i32_1 = arith.constant 0 : i32
    return %c0_i32, %c0_i32_0 : i32, i32
  }
  func.func @transform_3(%arg0: i32) -> (i32, i32) {
    %c0_i32 = arith.constant 0 : i32
    %c0_i32_0 = arith.constant 0 : i32
    %c0_i32_1 = arith.constant 0 : i32
    return %c0_i32, %c0_i32_0 : i32, i32
  }
  func.func @transform_4(%arg0: i32) -> (i32, i32) {
    %c0_i32 = arith.constant 0 : i32
    %c0_i32_0 = arith.constant 0 : i32
    return %arg0, %c0_i32 : i32, i32
  }
}

module attributes {stable_mosaic.version = 14 : i64} {
  func.func @body(%arg0: i32, %arg1: memref<2x2000x64xf32, #tpu.memory_space<vmem>>, %arg2: memref<2000x32xf32, #tpu.memory_space<vmem>>, %arg3: memref<1x64xf32, #tpu.memory_space<vmem>>, %arg4: memref<2000x64xf32, #tpu.memory_space<vmem>>) attributes {dimension_semantics = [#tpu.dimension_semantics<arbitrary>], iteration_bounds = array<i64: 5>, scalar_prefetch = 0 : i64, scratch_operands = 0 : i64, tpu.core_type = #tpu.core_type<tc>, window_params = [{transform_indices = @transform_0, window_bounds = array<i64: 2, 2000, 64>}, {transform_indices = @transform_1, window_bounds = array<i64: 2000, 32>}, {pipeline_mode = #tpu.pipeline_mode<synchronous>, transform_indices = @transform_2, window_bounds = array<i64: 1, 64>}, {transform_indices = @transform_3, window_bounds = array<i64: 2000, 64>}]} {
    %get3A = arith.constant 0 : index
    %get3A_0 = arith.constant 0 : index
    %get3A_1 = vector.load %arg2[%get3A, %get3A_0] : memref<2000x32xf32, #tpu.memory_space<vmem>>, vector<2000x32xf32>
    %reduce_sum3A = arith.constant dense<0.000000e+00> : vector<2000xf32>
    %reduce_sum3A_2 = vector.multi_reduction <add>, %get3A_1, %reduce_sum3A [1] : vector<2000x32xf32> to vector<2000xf32>
    %gt3A = arith.constant 0.000000e+00 : f32
    %gt3A_3 = vector.broadcast %gt3A : f32 to vector<2000xf32>
    %gt3A_4 = arith.cmpf ogt, %reduce_sum3A_2, %gt3A_3 : vector<2000xf32>
    %rsqrt3A = math.rsqrt %reduce_sum3A_2 : vector<2000xf32>
    %jit3A = arith.constant 0.000000e+00 : f32
    %broadcast_in_dim3A = vector.broadcast %jit3A : f32 to vector<2000xf32>
    %select_n3A = arith.select %gt3A_4, %rsqrt3A, %broadcast_in_dim3A : vector<2000xi1>, vector<2000xf32>
    %get3A_5 = arith.constant 0 : index
    %get3A_6 = arith.constant 0 : index
    %get3A_7 = arith.constant 0 : index
    %get3A_8 = vector.load %arg1[%get3A_5, %get3A_6, %get3A_7] : memref<2x2000x64xf32, #tpu.memory_space<vmem>>, vector<2x2000x64xf32>
    %slice3A = vector.extract_strided_slice %get3A_8 {offsets = [0, 0, 0], sizes = [1, 2000, 64], strides = [1, 1, 1]} : vector<2x2000x64xf32> to vector<1x2000x64xf32>
    %squeeze3A = vector.shape_cast %slice3A : vector<1x2000x64xf32> to vector<2000x64xf32>
    %slice3A_9 = vector.extract_strided_slice %get3A_8 {offsets = [1, 0, 0], sizes = [1, 2000, 64], strides = [1, 1, 1]} : vector<2x2000x64xf32> to vector<1x2000x64xf32>
    %squeeze3A_10 = vector.shape_cast %slice3A_9 : vector<1x2000x64xf32> to vector<2000x64xf32>
    %add3A = arith.addf %squeeze3A, %squeeze3A_10 : vector<2000x64xf32>
    %broadcast_in_dim3A_11 = vector.shape_cast %select_n3A : vector<2000xf32> to vector<2000x1xf32>
    %mul3A = vector.broadcast %broadcast_in_dim3A_11 : vector<2000x1xf32> to vector<2000x64xf32>
    %mul3A_12 = arith.mulf %add3A, %mul3A : vector<2000x64xf32>
    %get3A_13 = arith.constant 0 : index
    %get3A_14 = arith.constant 0 : index
    %get3A_15 = vector.load %arg3[%get3A_13, %get3A_14] : memref<1x64xf32, #tpu.memory_space<vmem>>, vector<1x64xf32>
    %add3A_16 = vector.broadcast %get3A_15 : vector<1x64xf32> to vector<2000x64xf32>
    %add3A_17 = arith.addf %mul3A_12, %add3A_16 : vector<2000x64xf32>
    %reduce_max3A = arith.constant dense<0xFF800000> : vector<2000xf32>
    %reduce_max3A_18 = vector.multi_reduction <maximumf>, %add3A_17, %reduce_max3A [1] : vector<2000x64xf32> to vector<2000xf32>
    %broadcast_in_dim3A_19 = vector.shape_cast %reduce_max3A_18 : vector<2000xf32> to vector<2000x1xf32>
    %sub3A = vector.broadcast %broadcast_in_dim3A_19 : vector<2000x1xf32> to vector<2000x64xf32>
    %sub3A_20 = arith.subf %add3A_17, %sub3A : vector<2000x64xf32>
    %exp3A = math.exp %sub3A_20 : vector<2000x64xf32>
    %reduce_sum3A_21 = arith.constant dense<0.000000e+00> : vector<2000xf32>
    %reduce_sum3A_22 = vector.multi_reduction <add>, %exp3A, %reduce_sum3A_21 [1] : vector<2000x64xf32> to vector<2000xf32>
    %broadcast_in_dim3A_23 = vector.shape_cast %reduce_sum3A_22 : vector<2000xf32> to vector<2000x1xf32>
    %div3A = vector.broadcast %broadcast_in_dim3A_23 : vector<2000x1xf32> to vector<2000x64xf32>
    %div3A_24 = arith.divf %exp3A, %div3A : vector<2000x64xf32>
    %swap3A = arith.constant 0 : index
    %swap3A_25 = arith.constant 0 : index
    %swap3A_26 = vector.load %arg4[%swap3A, %swap3A_25] : memref<2000x64xf32, #tpu.memory_space<vmem>>, vector<2000x64xf32>
    tpu.vector_store %arg4[%swap3A, %swap3A_25], %div3A_24 {strides = array<i32>} : memref<2000x64xf32, #tpu.memory_space<vmem>>, vector<2000x64xf32>,
    return
  }
  func.func @transform_0(%arg0: i32) -> (i32, i32, i32) {
    %c0_i32 = arith.constant 0 : i32
    %c0_i32_0 = arith.constant 0 : i32
    %c0_i32_1 = arith.constant 0 : i32
    return %c0_i32, %arg0, %c0_i32_0 : i32, i32, i32
  }
  func.func @transform_1(%arg0: i32) -> (i32, i32) {
    %c0_i32 = arith.constant 0 : i32
    %c0_i32_0 = arith.constant 0 : i32
    return %arg0, %c0_i32 : i32, i32
  }
  func.func @transform_2(%arg0: i32) -> (i32, i32) {
    %c0_i32 = arith.constant 0 : i32
    %c0_i32_0 = arith.constant 0 : i32
    %c0_i32_1 = arith.constant 0 : i32
    return %c0_i32, %c0_i32_0 : i32, i32
  }
  func.func @transform_3(%arg0: i32) -> (i32, i32) {
    %c0_i32 = arith.constant 0 : i32
    %c0_i32_0 = arith.constant 0 : i32
    return %arg0, %c0_i32 : i32, i32
  }
}

</mosaic_0001>

<sc_bundles>
// kernel: kernel.11.cloned.1.call-start
scs
__scs_entry_jumppad:
0x0: {  	(pc) =	sbr.rel $0x88, $3  }
0x1: {  	(tag) =	ssettag $0x0;
	lr =	simm.s32 $0x1  }
0x2: {  	[smem:$0x3F9B] =	sst lr;
	_ =	strace $0xD0000000  }
0x3: {  	_ = 	snop  }
0x4: {  	_ = 	snop  }
0x5: {  	_ = 	snop  }
0x6: {  	_ = 	snop  }
0x7: {  	_ = 	snop  }
__scs_overlays_trampoline_lowered:
0x8: {  	[smem:$0x3FAA] =	sst s0  }
0x9: {  	[smem:$0x3FAB] =	sst s1  }
0xa: {  	[smem:$0x3FAC] =	sst s2  }
0xb: {  	[smem:$0x3FAD] =	sst s3  }
0xc: {  	[smem:$0x3FAE] =	sst s4  }
0xd: {  	[smem:$0x3FAF] =	sst s5  }
0xe: {  	[smem:$0x3FB0] =	sst s6  }
0xf: {  	[smem:$0x3FB1] =	sst s7  }
0x10: {  	[smem:$0x3FB2] =	sst s8  }
0x11: {  	[smem:$0x3FB3] =	sst s9;
	s0 =	simm.s32 @!p0 $0x0  }
0x12: {  	s1 =	sld [smem:$0x3F99];
	s0 =	simm.s32 @p0 $0x1  }
0x13: {  	[smem:$0x3FB4] =	sst s0;
	s0 =	simm.s32 @!p1 $0x0  }
0x14: {  	s2 =	sld [smem:$0x3F98];
	s0 =	simm.s32 @p1 $0x1  }
0x15: {  	[smem:$0x3FB5] =	sst s0;
	s0 =	simm.s32 @!p2 $0x0  }
0x16: {  	s3 =	sld [smem:$0x3FDB];
	s0 =	simm.s32 @p2 $0x1  }
0x17: {  	s4 =	simm.s32 $0x1BF5;
	[smem:$0x3FB7] =	sst s0  }
0x18: {  	s0 =	sld [smem:$0x3F9A];
	_ =	swait.ge [sflag:s4], $0x0  }
0x19: {  	s7 =	sld [smem:$0x3F9B]  }
0x1a: {  	s8 =	sadd.s32 $0xFFFFE003, lr  }
0x1b: {  	s9 =	sadd.s32 $0xFFFFFEF7, lr;
	s5 =	simm.s32 $0xFFFFFFFF;
	p2 =	slt.u32 s8, $0xFFFFF086  }
0x1c: {  	p1 =	slt.u32 s9, $0xF7A;
	s5 =	simm.s32 @!p2 $0x0  }
0x1d: {  	s5 =	simm.s32 @p1 $0x1;
	p0 =	seq.s32 s7, s2  }
0x1e: {  	s7 =	smul.u32 @!p0 $0xF7A, s2;
	p2 =	seq.s32 @!p0 s5, $0x0  }
0x1f: {  	s9 =	smul.u32 $0xF7A, s1;
	s8 =	simm.s32 @!p0 $0x1BF5;
	p2 =	por !p2, p0  }
0x20: {  	[sflag:s8] =	ssyncset.s32 @!p0 $0xFFFFF086;
	s6 =	sadd.s32 @!p0 s3, s7;
	s7 =	simm.s32 @!p0 $0x108  }
0x21: {  	s3 =	sadd.s32 s3, s9;
	s6 =	sadd.s32 @!p0 $0x88, s6;
	s7 =	simm.s32 @p2 $0x1082  }
0x22: {  	[simem:s7], [sflag:s8] =	dma.local @!p0 [hbm:s6], $0xF7A  }
0x23: {  	s9 =	sor.u32 $0xD0000000, s2;
	s6 =	simm.s32 $0x108;
	_ =	swait.ge @!p0 [sflag:s8], $0x0  }
0x24: {  	s3 =	sadd.s32 $0x88, s3;
	s6 =	simm.s32 @!p1 $0x1082;
	[sflag:s4] =	ssyncset.s32 $0xFFFFF086  }
0x25: {  	[simem:s6], [sflag:s4] =	dma.local [hbm:s3], $0xF7A  }
0x26: {  	[smem:$0x3F9B] =	sst s1;
	(tag) =	ssettag s2;
	_ =	strace s9  }
0x27: {  	s1 =	sld [smem:$0x3FAB]  }
0x28: {  	s2 =	sld [smem:$0x3FAC]  }
0x29: {  	s4 =	sld [smem:$0x3FAE]  }
0x2a: {  	p0 =	seq.s32 s5, $0x0;
	s5 =	sld [smem:$0x3FAF]  }
0x2b: {  	s6 =	sld [smem:$0x3FB0]  }
0x2c: {  	s7 =	sld [smem:$0x3FB1]  }
0x2d: {  	s3 =	simm.s32 $0x108;
	s8 =	sld [smem:$0x3FB2]  }
0x2e: {  	s3 =	simm.s32 @!p0 $0x1082;
	s9 =	sld [smem:$0x3FB3]  }
0x2f: {  	lr =	sadd.s32 s0, s3;
	s0 =	sld [smem:$0x3FAA]  }
0x30: {  	s3 =	sld [smem:$0x3FAD]  }
0x31: {  	[smem:$0x3FB6] =	sst s10  }
0x32: {  	s10 =	sld [smem:$0x3FB4];
	_ =	sdelay $0x3  }
0x33: {  	p0 =	seq.s32 s10, $0x1;
	s10 =	sld [smem:$0x3FB6];
	_ =	sdelay $0x3  }
0x34: {  	[smem:$0x3FB6] =	sst s10  }
0x35: {  	s10 =	sld [smem:$0x3FB5];
	_ =	sdelay $0x3  }
0x36: {  	p1 =	seq.s32 s10, $0x1;
	s10 =	sld [smem:$0x3FB6];
	_ =	sdelay $0x3  }
0x37: {  	[smem:$0x3FB6] =	sst s10  }
0x38: {  	s10 =	sld [smem:$0x3FB7]  }
0x39: {  	_ = 	snop;
	(pc) =	sbr.ind lr, $3  }
0x3a: {  	_ = 	snop  }
0x3b: {  	_ = 	snop  }
0x3c: {  	p2 =	seq.s32 s10, $0x1;
	s10 =	sld [smem:$0x3FB6]  }
0x3d: {  	_ =	shalt  }
0x3e: {  	_ =	shalt  }
0x3f: {  	_ =	shalt  }
0x40: {  	_ =	shalt  }
0x41: {  	_ =	shalt  }
0x42: {  	_ =	shalt  }
0x43: {  	_ =	shalt  }
0x44: {  	_ =	shalt  }
0x45: {  	_ =	shalt  }
0x46: {  	_ =	shalt  }
0x47: {  	_ =	shalt  }
0x48: {  	_ =	shalt  }
0x49: {  	_ =	shalt  }
0x4a: {  	_ =	shalt  }
0x4b: {  	_ =	shalt  }
0x4c: {  	_ =	shalt  }
0x4d: {  	_ =	shalt  }
0x4e: {  	_ =	shalt  }
0x4f: {  	_ =	shalt  }
0x50: {  	_ =	shalt  }
0x51: {  	_ =	shalt  }
0x52: {  	_ =	shalt  }
0x53: {  	_ =	shalt  }
0x54: {  	_ =	shalt  }
0x55: {  	_ =	shalt  }
0x56: {  	_ =	shalt  }
0x57: {  	_ =	shalt  }
0x58: {  	_ =	shalt  }
0x59: {  	_ =	shalt  }
0x5a: {  	_ =	shalt  }
0x5b: {  	_ =	shalt  }
0x5c: {  	_ =	shalt  }
0x5d: {  	_ =	shalt  }
0x5e: {  	_ =	shalt  }
0x5f: {  	_ =	shalt  }
0x60: {  	_ =	shalt  }
0x61: {  	_ =	shalt  }
0x62: {  	_ =	shalt  }
0x63: {  	_ =	shalt  }
0x64: {  	_ =	shalt  }
0x65: {  	_ =	shalt  }
0x66: {  	_ =	shalt  }
0x67: {  	_ =	shalt  }
0x68: {  	_ =	shalt  }
0x69: {  	_ =	shalt  }
0x6a: {  	_ =	shalt  }
0x6b: {  	_ =	shalt  }
0x6c: {  	_ =	shalt  }
0x6d: {  	_ =	shalt  }
0x6e: {  	_ =	shalt  }
0x6f: {  	_ =	shalt  }
0x70: {  	_ =	shalt  }
0x71: {  	_ =	shalt  }
0x72: {  	_ =	shalt  }
0x73: {  	_ =	shalt  }
0x74: {  	_ =	shalt  }
0x75: {  	_ =	shalt  }
0x76: {  	_ =	shalt  }
0x77: {  	_ =	shalt  }
0x78: {  	_ =	shalt  }
0x79: {  	_ =	shalt  }
0x7a: {  	_ =	shalt  }
0x7b: {  	_ =	shalt  }
0x7c: {  	_ =	shalt  }
0x7d: {  	_ =	shalt  }
0x7e: {  	_ =	shalt  }
0x7f: {  	_ =	shalt  }
0x80: {  	_ =	shalt  }
0x81: {  	_ =	shalt  }
0x82: {  	_ =	shalt  }
0x83: {  	_ =	shalt  }
0x84: {  	_ =	shalt  }
0x85: {  	_ =	shalt  }
0x86: {  	_ =	shalt  }
0x87: {  	_ =	shalt  }
.Lfunc_end0:
.L_simem_size_0:
called_computation.1_lowered:
.L_overlay_start_0:
0x88: {  	s2 =	sld [smem:$0x3FD9]  }
0x89: {  	s3 =	sld [smem:$0x3FFE];
	_ =	sdelay $0x1  }
0x8a: {  	s1 =	srdreg.scid  }
0x8b: {  	s0 =	sand.u32 $0x1, s1  }
0x8c: {  	s17 =	sshll.u32 s0, $0xA;
	s2 =	sadd.s32 s3, s2  }
0x8d: {  	s2 =	sadd.s32 s2, s17  }
0x8e: {  	[smem:$0x3FC2] =	sst s2  }
0x8f: {  	_ = 	snop  }
0x90: {  	s2 =	sld [smem:$0x3FD0];
	(tm) =	ssettm $0x1  }
0x91: {  	s18 =	sld [smem:$0x3FFB];
	_ =	sdelay $0x3  }
0x92: {  	_ =	strace s18  }
0x93: {  	s3 =	sld [smem:$0x3FFC];
	_ =	sdelay $0x3  }
0x94: {  	_ =	strace s3  }
0x95: {  	s3 =	sld [smem:$0x3FFD];
	_ =	sdelay $0x3  }
0x96: {  	_ =	strace s3  }
0x97: {  	_ =	strace $0x8FFFFFFF  }
0x98: {  	s19 =	sld [smem:$0x3FDB];
	_ =	sdelay $0x1  }
0x99: {  	s4 =	simm.s32 $_scs_section_size  }
0x9a: {  	s5 =	simm.s32 $_size__tile_overlayer_lowered;
	s6 =	simm.s32 $_tile_overlayer_lowered  }
0x9b: {  	s22 =	simm.s32 $0x1BFF;
	s21 =	sshll.u32 s6, $0x1;
	s3 =	sadd.s32 s4, s19  }
0x9c: {  	s7 =	simm.s32 $0x0;
	s20 =	sshll.u32 s5, $0x1;
	s5 =	sadd.s32 s21, s3  }
0x9d: {  	[timem:s7], [sflag:s22] =	dma.local [hbm:s5], s20  }
0x9e: {  	_ =	swait.ge [sflag:s22], s20  }
0x9f: {  	s4 =	ssub.s32 $0x0, s20;
	[sflag:s22] =	ssyncset.done $0x0  }
0xa0: {  	[sflag:s22] =	ssyncadd.s32 s4;
	_ =	sdelay $0x1  }
0xa1: {  	s23 =	simm.s32 $0x1B8B  }
0xa2: {  	_ =	swait.ge [sflag:s23], $0x1  }
0xa3: {  	[sflag:s23] =	ssyncset.done $0x0  }
0xa4: {  	s25 =	simm.s32 $0x1B8E;
	s24 =	sld [smem:$0x3FFE];
	[sflag:s23] =	ssyncadd.s32 $0xFFFFFFFF  }
0xa5: {  	s26 =	simm.s32 $execute0_lowered;
	[smem:$0x3FD2] =	sst s25  }
0xa6: {  	s5 =	sshll.u32 s26, $0x1;
	_ =	strace $0x80000049;
	[dreg:$0x1] =	wrdreg $0xFFFFFFFF  }
0xa7: {  	s28 =	simm.s32 $_size_execute0_lowered;
	s3 =	sadd.s32 s3, s5;
	[dreg:$0x0] =	wrdreg $0x0  }
0xa8: {  	s5 =	sshll.u32 s28, $0x1;
	[dreg:$0x2] =	wrdreg s3  }
0xa9: {  	[dreg:$0x3] =	wrdreg s5  }
0xaa: {  	[dreg:$0x4] =	wrdreg $0xC0  }
0xab: {  	_ =	task [dreg:s7], $0x5FFFF  }
0xac: {  	[dreg:$0x1] =	wrdreg $0xFFFFFFFF  }
0xad: {  	[dreg:$0x0] =	wrdreg $0x60  }
0xae: {  	[dreg:$0x2] =	wrdreg s24  }
0xaf: {  	[dreg:$0x3] =	wrdreg s2  }
0xb0: {  	[dreg:$0x4] =	wrdreg $0x14A000  }
0xb1: {  	[dreg:$0x5] =	wrdreg $0x9  }
0xb2: {  	_ =	task.clear_ibuf [dreg:s7], $0x6FFFF;
	_ =	strace $0x90000049  }
0xb3: {  	s29 =	simm.s32 $0x9;
	_ =	strace $0x8000004B  }
0xb4: {  	_ =	swait.ge [sflag:s29], $0x1  }
0xb5: {  	[sflag:s29] =	ssyncadd.s32 $0xFFFFFFFF  }
0xb6: {  	_ =	strace $0x9000004B  }
0xb7: {  	_ =	sfence  }
0xb8: {  	s30 =	sld [smem:$0x0];
	_ =	sdelay $0x2  }
0xb9: {  	s31 =	sshll.u32 s1, $0xD;
	s1 =	sshrl.u32 s1, $0x2  }
0xba: {  	s3 =	sand.u32 $0x4000, s31;
	s1 =	sadd.s32 s1, s30  }
0xbb: {  	s0 =	sor.u32 s3, s0;
	s1 =	sshll.u32 s1, $0x11  }
0xbc: {  	s0 =	sor.u32 s1, s0  }
0xbd: {  	s0 =	sadd.s32 $0x8F2B, s0  }
0xbe: {  	[sflag:s0] =	ssyncadd.remote.s32 $0x1  }
0xbf: {  	_ =	sfence.sel $0xFFFF  }
0xc0: {  	[dreg:$0x0] =	wrdreg $0xFFFFFFFF;
	(pc) =	sbr.abs _section_cstart, $3  }
0xc1: {  	[dreg:$0x1] =	wrdreg $0xFFFFFFFF  }
0xc2: {  	_ =	task.clear_ibuf [dreg:s7], $0x2FFFF;
	_ =	strace $0x9FFFFFFF  }
0xc3: {  	(tm) =	ssettm $0x7FFFFFFF  }
tec
execute0_lowered:
.L_overlay_start_1:
0x0: {  	(tag) =	ssettag $0x1  }
0x1: {  	s0 =	srdreg.scid;
	s1 =	rddreg [dreg:$0x0]  }
0x2: {  	s12 =	stileid.u32;
	s7 =	rddreg [dreg:$0x1]  }
0x3: {  	s10 =	simm.s32 $0x9;
	s14 =	simm.s32 $0x7D;
	s15 =	simm.s32 $0x5000  }
0x4: {  	s19 =	simm.s32 $0x8E80;
	s28 =	simm.s32 $0x10B80;
	s30 =	simm.s32 $0x12AC0  }
0x5: {  	s31 =	simm.s32 $0x1;
	s16 =	simm.s32 $0x8;
	s17 =	simm.s32 $0x0  }
0x6: {  	s0 =	sand.u32 $0x1, s0;
	s2 =	sshll.u32 s12, $0x1;
	s8 =	smul.u32 $0x9E00, s12  }
0x7: {  	s4 =	sadd.s32 $0x1FC00, s1;
	s29 =	sshll.u32 s12, $0x6;
	s3 =	sor.u32 s0, s2  }
0x8: {  	s2 =	rddreg [dreg:$0x2];
	s6 =	smul.u32 $0x9E000, s0;
	s0 =	ssub.s32 $0x2, s0  }
0x9: {  	s12 =	sor.u32 $0x1C09, s29;
	s5 =	smul.u32 $0x2800, s3;
	s3 =	simm.s32 $0x0  }
0xa: {  	s24 =	sshrl.u32 s0, $0x1;
	s11 =	sadd.s32 s8, s2;
	[smem:$0x7FF] =	sst s3  }
0xb: {  	s6 =	sadd.s32 s8, s6;
	s0 =	ssub.s32 s0, s24;
	s8 =	sshrl.u32 s8, $0x3  }
0xc: {  	s13 =	sshrl.u32 s11, $0x3;
	s11 =	simm.s32 $0x7;
	_ =	strace $0x8000004A  }
.Ltmp0:
0xd: {  	s5 =	sshrl.u32 s5, $0x3;
	s23 =	sshrl.u32 s6, $0x3;
	(pc) =	sbr.rel .LBB2_1-.Ltmp0, $4  }
0xe: {  	s7 =	sadd.s32 s7, s8;
	s9 =	sadd.s32 s5, s1;
	s1 =	sadd.s32 s23, s1  }
0xf: {  	s23 =	simm.s32 $0xCD00;
	s25 =	sadd.s32 $0xBC00, s9;
	s26 =	sadd.s32 $0x15C00, s9  }
0x10: {  	s8 =	sadd.s32 $0x33600, s1;
	s9 =	smax.u32 s0, $0x1;
	[dreg:$0x4] =	wrdreg s25  }
0x11: {  	s1 =	simm.s32 $0x3;
	s0 =	simm.s32 $0x5;
	[dreg:$0x5] =	wrdreg s26  }
.LBB2_4:
0x12: {  	_ =	swait.ge [sflag:s16], $0x1F40  }
0x13: {  	[sflag:s16] =	ssyncset.done $0x0  }
0x14: {  	[sflag:s16] =	ssyncadd.s32 $0xFFFFE0C0  }
0x15: {  	[spmem:s2] =	stream.indirect.scatter.add.f32 [tilespmem:s30], [sflag:$0x9], $0x40, s21, s14, $0xb8;
	[tilespmem:$0x1E800] =	vst v63  }
0x16: {  	_ =	swait.ge [sflag:s10], $0x1F40  }
0x17: {  	s17 =	sadd.s32 $0x1, s17;
	[sflag:s10] =	ssyncset.done $0x0  }
0x18: {  	p0 =	sne.s32 s17, s9;
	[sflag:s10] =	ssyncadd.s32 $0xFFFFE0C0  }
.Ltmp1:
0x19: {  	[bflag:$0x0] =	sbarrier.arrive $0xFFFF;
	(pc) =	sbr.rel @!p0 .LBB2_5-.Ltmp1, $4  }
0x1a: {  	[hbm:s8], [sflag:s12] =	dma.local [spmem:s13], $0x13C0  }
0x1b: {  	_ =	swait.ge [sflag:s10], $0x13C0  }
0x1c: {  	[sflag:s10] =	ssyncset.done $0x0  }
0x1d: {  	[sflag:s10] =	ssyncadd.s32 $0xFFFFEC40  }
.LBB2_1:
0x1e: {  	s5 =	rddreg [dreg:$0x4]  }
0x1f: {  	[tilespmem:s3], [sflag:$0x9] =	stream.linear.gather [hbm4b:s5+s3], $0x2800, $0x38;
	[tilespmem:$0x1E800] =	vst v63  }
0x20: {  	_ =	swait.ge [sflag:s10], $0x2800  }
0x21: {  	[sflag:s10] =	ssyncset.done $0x0  }
0x22: {  	s6 =	simm.s32 $0x2800;
	s25 =	rddreg [dreg:$0x5];
	[sflag:s10] =	ssyncadd.s32 $0xFFFFD800  }
0x23: {  	[tilespmem:s6], [sflag:$0x9] =	stream.linear.gather [hbm4b:s25+s3], $0x2800, $0x38;
	[tilespmem:$0x1E800] =	vst v63  }
0x24: {  	_ =	swait.ge [sflag:s10], $0x2800  }
0x25: {  	[sflag:s10] =	ssyncset.done $0x0  }
0x26: {  	[sflag:s10] =	ssyncadd.s32 $0xFFFFD800  }
0x27: {  	[spmem:s13], [sflag:s12] =	dma.local [hbm:s7], $0x13C0  }
0x28: {  	_ =	swait.ge [sflag:s10], $0x13C0  }
0x29: {  	[sflag:s10] =	ssyncset.done $0x0  }
0x2a: {  	[sflag:s10] =	ssyncadd.s32 $0xFFFFEC40  }
0x2b: {  	[bflag:$0x0] =	sbarrier.arrive $0xFFFF  }
0x2c: {  	[tilespmem:s15], [sflag:$0x1] =	stream.indirect.gather [hbm4b:s4+s14], $0x40, s3, s14, $0xb8;
	[tilespmem:$0x1E800] =	vst v63  }
0x2d: {  	s26 =	simm.s32 $0x80;
	s29 =	simm.s32 $0x6F40  }
0x2e: {  	[tilespmem:s29], [sflag:$0x2] =	stream.indirect.gather [hbm4b:s4+s14], $0x40, s26, s14, $0xb8;
	[tilespmem:$0x1E800] =	vst v63  }
0x2f: {  	s18 =	simm.s32 $0x100  }
0x30: {  	[tilespmem:s19], [sflag:$0x3] =	stream.indirect.gather [hbm4b:s4+s14], $0x40, s18, s14, $0xb8;
	[tilespmem:$0x1E800] =	vst v63  }
0x31: {  	s20 =	simm.s32 $0x180;
	s21 =	simm.s32 $0xADC0  }
0x32: {  	[tilespmem:s21], [sflag:$0x4] =	stream.indirect.gather [hbm4b:s4+s14], $0x40, s20, s14, $0xb8;
	[tilespmem:$0x1E800] =	vst v63  }
0x33: {  	s22 =	simm.s32 $0x200  }
0x34: {  	[tilespmem:s23], [sflag:$0x5] =	stream.indirect.gather [hbm4b:s4+s14], $0x40, s22, s14, $0xb8;
	[tilespmem:$0x1E800] =	vst v63  }
0x35: {  	s24 =	simm.s32 $0x280;
	s25 =	simm.s32 $0xEC40  }
0x36: {  	[tilespmem:s25], [sflag:$0x6] =	stream.indirect.gather [hbm4b:s4+s14], $0x40, s24, s14, $0xb8;
	[tilespmem:$0x1E800] =	vst v63  }
0x37: {  	s26 =	simm.s32 $0x300  }
0x38: {  	[tilespmem:s28], [sflag:$0x7] =	stream.indirect.gather [hbm4b:s4+s14], $0x40, s26, s14, $0xb8;
	[tilespmem:$0x1E800] =	vst v63  }
0x39: {  	s29 =	simm.s32 $0x380;
	s18 =	simm.s32 $0x0  }
0x3a: {  	[tilespmem:s30], [sflag:$0x8] =	stream.indirect.gather [hbm4b:s4+s14], $0x40, s29, s14, $0xb8;
	[tilespmem:$0x1E800] =	vst v63  }
.LBB2_2:
0x3b: {  	_ =	swait.ge [sflag:s31], $0x1F40  }
0x3c: {  	s20 =	sshra.s32 s18, $0x2;
	[sflag:s31] =	ssyncset.done $0x0  }
0x3d: {  	s21 =	sadd.s32 $0x2800, s20;
	[sflag:s31] =	ssyncadd.s32 $0xFFFFE0C0  }
0x3e: {  	[spmem:s2] =	stream.indirect.scatter.add.f32 [tilespmem:s15], [sflag:$0x9], $0x40, s21, s14, $0xb8;
	[tilespmem:$0x1E800] =	vst v63  }
0x3f: {  	_ =	swait.ge [sflag:s10], $0x1F40  }
0x40: {  	p0 =	seq.s32 s18, $0x9000;
	[sflag:s10] =	ssyncset.done $0x0  }
0x41: {  	s21 =	simm.s32 @p0 $0x2;
	[sflag:s10] =	ssyncadd.s32 $0xFFFFE0C0  }
0x42: {  	s24 =	sshra.s32 @p0 s18, $0x2;
	_ =	swait.ge @p0 [sflag:s21], $0x1F40  }
0x43: {  	s25 =	simm.s32 @p0 $0x7D;
	s22 =	simm.s32 @p0 $0x6F40;
	[sflag:s21] =	ssyncset.done @p0 $0x0  }
0x44: {  	s26 =	simm.s32 @p0 $0x9;
	[sflag:s21] =	ssyncadd.s32 @p0 $0xFFFFE0C0;
	s21 =	sadd.s32 @p0 $0x2880, s24  }
0x45: {  	[spmem:s2] =	stream.indirect.scatter.add.f32 @p0 [tilespmem:s22], [sflag:$0x9], $0x40, s21, s25, $0xb8;
	[tilespmem:$0x1E800] =	vst v63  }
0x46: {  	_ =	swait.ge @p0 [sflag:s26], $0x1F40  }
0x47: {  	s5 =	simm.s32 @!p0 $0x5000;
	s21 =	sshra.s32 @!p0 s18, $0x2;
	[sflag:s26] =	ssyncset.done @p0 $0x0  }
0x48: {  	s22 =	simm.s32 @!p0 $0x7D;
	s29 =	sadd.s32 @!p0 $0x400, s21;
	[sflag:s26] =	ssyncadd.s32 @p0 $0xFFFFE0C0  }
0x49: {  	[tilespmem:s5], [sflag:$0x1] =	stream.indirect.gather @!p0 [hbm4b:s4+s22], $0x40, s29, s22, $0xb8;
	[tilespmem:$0x1E800] =	vst v63  }
0x4a: {  	s5 =	simm.s32 @!p0 $0x2  }
0x4b: {  	_ =	swait.ge @!p0 [sflag:s5], $0x1F40  }
0x4c: {  	s6 =	simm.s32 @!p0 $0x6F40;
	[sflag:s5] =	ssyncset.done @!p0 $0x0  }
0x4d: {  	s29 =	simm.s32 @!p0 $0x9;
	[sflag:s5] =	ssyncadd.s32 @!p0 $0xFFFFE0C0;
	s5 =	sadd.s32 @!p0 $0x2880, s21  }
0x4e: {  	[spmem:s2] =	stream.indirect.scatter.add.f32 @!p0 [tilespmem:s6], [sflag:$0x9], $0x40, s5, s22, $0xb8;
	[tilespmem:$0x1E800] =	vst v63  }
0x4f: {  	_ =	swait.ge @!p0 [sflag:s29], $0x1F40  }
0x50: {  	[sflag:s29] =	ssyncset.done @!p0 $0x0  }
0x51: {  	s5 =	sadd.s32 @!p0 $0x480, s21;
	[sflag:s29] =	ssyncadd.s32 @!p0 $0xFFFFE0C0  }
0x52: {  	[tilespmem:s6], [sflag:$0x2] =	stream.indirect.gather @!p0 [hbm4b:s4+s22], $0x40, s5, s22, $0xb8;
	[tilespmem:$0x1E800] =	vst v63  }
0x53: {  	_ =	swait.ge [sflag:s1], $0x1F40  }
0x54: {  	[sflag:s1] =	ssyncset.done $0x0  }
0x55: {  	s6 =	sadd.s32 $0x2900, s20;
	[sflag:s1] =	ssyncadd.s32 $0xFFFFE0C0  }
0x56: {  	[spmem:s2] =	stream.indirect.scatter.add.f32 [tilespmem:s19], [sflag:$0x9], $0x40, s6, s14, $0xb8;
	[tilespmem:$0x1E800] =	vst v63  }
0x57: {  	_ =	swait.ge [sflag:s10], $0x1F40  }
0x58: {  	[sflag:s10] =	ssyncset.done $0x0  }
0x59: {  	s5 =	simm.s32 @p0 $0x4;
	[sflag:s10] =	ssyncadd.s32 $0xFFFFE0C0  }
0x5a: {  	_ =	swait.ge @p0 [sflag:s5], $0x1F40  }
0x5b: {  	[sflag:s5] =	ssyncset.done @p0 $0x0  }
0x5c: {  	s6 =	simm.s32 @p0 $0xADC0;
	[sflag:s5] =	ssyncadd.s32 @p0 $0xFFFFE0C0;
	s5 =	sadd.s32 @p0 $0x2980, s24  }
0x5d: {  	[spmem:s2] =	stream.indirect.scatter.add.f32 @p0 [tilespmem:s6], [sflag:$0x9], $0x40, s5, s25, $0xb8;
	[tilespmem:$0x1E800] =	vst v63  }
0x5e: {  	_ =	swait.ge @p0 [sflag:s26], $0x1F40  }
0x5f: {  	[sflag:s26] =	ssyncset.done @p0 $0x0  }
0x60: {  	s5 =	sadd.s32 @!p0 $0x500, s21;
	s6 =	simm.s32 @!p0 $0x8E80;
	[sflag:s26] =	ssyncadd.s32 @p0 $0xFFFFE0C0  }
0x61: {  	[tilespmem:s6], [sflag:$0x3] =	stream.indirect.gather @!p0 [hbm4b:s4+s22], $0x40, s5, s22, $0xb8;
	[tilespmem:$0x1E800] =	vst v63  }
0x62: {  	s5 =	simm.s32 @!p0 $0x4  }
0x63: {  	_ =	swait.ge @!p0 [sflag:s5], $0x1F40  }
0x64: {  	[sflag:s5] =	ssyncset.done @!p0 $0x0  }
0x65: {  	s6 =	simm.s32 @!p0 $0xADC0;
	[sflag:s5] =	ssyncadd.s32 @!p0 $0xFFFFE0C0;
	s5 =	sadd.s32 @!p0 $0x2980, s21  }
0x66: {  	[spmem:s2] =	stream.indirect.scatter.add.f32 @!p0 [tilespmem:s6], [sflag:$0x9], $0x40, s5, s22, $0xb8;
	[tilespmem:$0x1E800] =	vst v63  }
0x67: {  	_ =	swait.ge @!p0 [sflag:s29], $0x1F40  }
0x68: {  	[sflag:s29] =	ssyncset.done @!p0 $0x0  }
0x69: {  	s5 =	sadd.s32 @!p0 $0x580, s21;
	[sflag:s29] =	ssyncadd.s32 @!p0 $0xFFFFE0C0  }
0x6a: {  	[tilespmem:s6], [sflag:$0x4] =	stream.indirect.gather @!p0 [hbm4b:s4+s22], $0x40, s5, s22, $0xb8;
	[tilespmem:$0x1E800] =	vst v63  }
0x6b: {  	_ =	swait.ge [sflag:s0], $0x1F40  }
0x6c: {  	[sflag:s0] =	ssyncset.done $0x0  }
0x6d: {  	s6 =	sadd.s32 $0x2A00, s20;
	[sflag:s0] =	ssyncadd.s32 $0xFFFFE0C0  }
0x6e: {  	[spmem:s2] =	stream.indirect.scatter.add.f32 [tilespmem:s23], [sflag:$0x9], $0x40, s6, s14, $0xb8;
	[tilespmem:$0x1E800] =	vst v63  }
0x6f: {  	_ =	swait.ge [sflag:s10], $0x1F40  }
0x70: {  	[sflag:s10] =	ssyncset.done $0x0  }
0x71: {  	s5 =	simm.s32 @p0 $0x6;
	[sflag:s10] =	ssyncadd.s32 $0xFFFFE0C0  }
0x72: {  	_ =	swait.ge @p0 [sflag:s5], $0x1F40  }
0x73: {  	[sflag:s5] =	ssyncset.done @p0 $0x0  }
0x74: {  	s6 =	simm.s32 @p0 $0xEC40;
	[sflag:s5] =	ssyncadd.s32 @p0 $0xFFFFE0C0;
	s5 =	sadd.s32 @p0 $0x2A80, s24  }
0x75: {  	[spmem:s2] =	stream.indirect.scatter.add.f32 @p0 [tilespmem:s6], [sflag:$0x9], $0x40, s5, s25, $0xb8;
	[tilespmem:$0x1E800] =	vst v63  }
0x76: {  	_ =	swait.ge @p0 [sflag:s26], $0x1F40  }
0x77: {  	[sflag:s26] =	ssyncset.done @p0 $0x0  }
0x78: {  	s5 =	sadd.s32 @!p0 $0x600, s21;
	s6 =	simm.s32 @!p0 $0xCD00;
	[sflag:s26] =	ssyncadd.s32 @p0 $0xFFFFE0C0  }
0x79: {  	[tilespmem:s6], [sflag:$0x5] =	stream.indirect.gather @!p0 [hbm4b:s4+s22], $0x40, s5, s22, $0xb8;
	[tilespmem:$0x1E800] =	vst v63  }
0x7a: {  	s5 =	simm.s32 @!p0 $0x6  }
0x7b: {  	_ =	swait.ge @!p0 [sflag:s5], $0x1F40  }
0x7c: {  	[sflag:s5] =	ssyncset.done @!p0 $0x0  }
0x7d: {  	s6 =	simm.s32 @!p0 $0xEC40;
	[sflag:s5] =	ssyncadd.s32 @!p0 $0xFFFFE0C0;
	s5 =	sadd.s32 @!p0 $0x2A80, s21  }
0x7e: {  	[spmem:s2] =	stream.indirect.scatter.add.f32 @!p0 [tilespmem:s6], [sflag:$0x9], $0x40, s5, s22, $0xb8;
	[tilespmem:$0x1E800] =	vst v63  }
0x7f: {  	_ =	swait.ge @!p0 [sflag:s29], $0x1F40  }
0x80: {  	[sflag:s29] =	ssyncset.done @!p0 $0x0  }
0x81: {  	s5 =	sadd.s32 @!p0 $0x680, s21;
	[sflag:s29] =	ssyncadd.s32 @!p0 $0xFFFFE0C0  }
0x82: {  	[tilespmem:s6], [sflag:$0x6] =	stream.indirect.gather @!p0 [hbm4b:s4+s22], $0x40, s5, s22, $0xb8;
	[tilespmem:$0x1E800] =	vst v63  }
0x83: {  	_ =	swait.ge [sflag:s11], $0x1F40  }
0x84: {  	[sflag:s11] =	ssyncset.done $0x0  }
.Ltmp2:
0x85: {  	s29 =	sadd.s32 $0x2B00, s20;
	[sflag:s11] =	ssyncadd.s32 $0xFFFFE0C0;
	(pc) =	sbr.rel @p0 .LBB2_4-.Ltmp2, $4  }
0x86: {  	[spmem:s2] =	stream.indirect.scatter.add.f32 [tilespmem:s28], [sflag:$0x9], $0x40, s29, s14, $0xb8;
	[tilespmem:$0x1E800] =	vst v63  }
0x87: {  	_ =	swait.ge [sflag:s10], $0x1F40  }
0x88: {  	[sflag:s10] =	ssyncset.done $0x0  }
0x89: {  	s21 =	sadd.s32 $0x2B80, s20;
	[sflag:s10] =	ssyncadd.s32 $0xFFFFE0C0  }
0x8a: {  	s5 =	sadd.s32 $0x700, s20  }
0x8b: {  	[tilespmem:s28], [sflag:$0x7] =	stream.indirect.gather [hbm4b:s4+s14], $0x40, s5, s14, $0xb8;
	[tilespmem:$0x1E800] =	vst v63  }
0x8c: {  	_ =	swait.ge [sflag:s16], $0x1F40  }
0x8d: {  	[sflag:s16] =	ssyncset.done $0x0  }
0x8e: {  	[sflag:s16] =	ssyncadd.s32 $0xFFFFE0C0  }
0x8f: {  	[spmem:s2] =	stream.indirect.scatter.add.f32 [tilespmem:s30], [sflag:$0x9], $0x40, s21, s14, $0xb8;
	[tilespmem:$0x1E800] =	vst v63  }
.Ltmp3:
0x90: {  	_ = 	snop;
	(pc) =	sbr.rel .LBB2_2-.Ltmp3, $4  }
0x91: {  	_ =	swait.ge [sflag:s10], $0x1F40  }
0x92: {  	[sflag:s10] =	ssyncset.done $0x0  }
0x93: {  	s29 =	sadd.s32 $0x780, s20;
	s18 =	sadd.s32 $0x1000, s18;
	[sflag:s10] =	ssyncadd.s32 $0xFFFFE0C0  }
0x94: {  	[tilespmem:s30], [sflag:$0x8] =	stream.indirect.gather [hbm4b:s4+s14], $0x40, s29, s14, $0xb8;
	[tilespmem:$0x1E800] =	vst v63  }
.LBB2_5:
0x95: {  	_ =	sfence.sel $0x180000  }
0x96: {  	[bflag:$0x0] =	sbarrier.arrive $0xFFFF  }
0x97: {  	_ =	strace $0x9000004A  }
0x98: {  	s0 =	stileid.u32;
	[bflag:$0x2] =	sbarrier.arrive $0xFFFF  }
0x99: {  	p0 =	sne.s32 s0, $0x0;
	s0 =	rddreg [dreg:$0x3]  }
0x9a: {  	s0 =	sadd.s32 @!p0 $0x100000, s0  }
0x9b: {  	[sflag:s0] =	ssyncadd.tile.s32 @!p0 $0x1;
	_ =	shalt  }
.Lfunc_end2:
_tile_overlayer_lowered:
.L_overlay_start_2:
0x9c: {  	(tag) =	ssettag $0x2  }
0x9d: {  	s0 =	rddreg [dreg:$0x0];
	s2 =	stileid.u32  }
0x9e: {  	s1 =	rddreg [dreg:$0x1];
	p0 =	sne.s32 s2, $0x0  }
0x9f: {  	s3 =	rddreg [dreg:$0x2];
	[bflag:$0x3] =	sbarrier.arrive $0xFFFF;
	s2 =	simm.s32 @!p0 $0x1C09  }
0xa0: {  	[timem:s3], [sflag:s2] =	dma.local @!p0 [hbm:s0], s1  }
0xa1: {  	s0 =	simm.s32 @!p0 $0x9  }
0xa2: {  	_ =	swait.ge @!p0 [sflag:s0], s1  }
0xa3: {  	s1 =	ssub.s32 @!p0 $0x0, s1;
	[sflag:s0] =	ssyncset.done @!p0 $0x0  }
0xa4: {  	[sflag:s0] =	ssyncadd.s32 @!p0 s1  }
0xa5: {  	[bflag:$0x3] =	sbarrier.arrive $0xFFFF  }
0xa6: {  	_ =	shalt  }

// kernel: kernel.14.cloned.1.call-start
scs
__scs_entry_jumppad:
0x0: {  	(pc) =	sbr.rel $0x88, $3  }
0x1: {  	(tag) =	ssettag $0x0;
	lr =	simm.s32 $0x1  }
0x2: {  	[smem:$0x3F9B] =	sst lr;
	_ =	strace $0xD0000000  }
0x3: {  	_ = 	snop  }
0x4: {  	_ = 	snop  }
0x5: {  	_ = 	snop  }
0x6: {  	_ = 	snop  }
0x7: {  	_ = 	snop  }
__scs_overlays_trampoline_lowered:
0x8: {  	[smem:$0x3FAA] =	sst s0  }
0x9: {  	[smem:$0x3FAB] =	sst s1  }
0xa: {  	[smem:$0x3FAC] =	sst s2  }
0xb: {  	[smem:$0x3FAD] =	sst s3  }
0xc: {  	[smem:$0x3FAE] =	sst s4  }
0xd: {  	[smem:$0x3FAF] =	sst s5  }
0xe: {  	[smem:$0x3FB0] =	sst s6  }
0xf: {  	[smem:$0x3FB1] =	sst s7  }
0x10: {  	[smem:$0x3FB2] =	sst s8  }
0x11: {  	[smem:$0x3FB3] =	sst s9;
	s0 =	simm.s32 @!p0 $0x0  }
0x12: {  	s1 =	sld [smem:$0x3F99];
	s0 =	simm.s32 @p0 $0x1  }
0x13: {  	[smem:$0x3FB4] =	sst s0;
	s0 =	simm.s32 @!p1 $0x0  }
0x14: {  	s2 =	sld [smem:$0x3F98];
	s0 =	simm.s32 @p1 $0x1  }
0x15: {  	[smem:$0x3FB5] =	sst s0;
	s0 =	simm.s32 @!p2 $0x0  }
0x16: {  	s3 =	sld [smem:$0x3FDB];
	s0 =	simm.s32 @p2 $0x1  }
0x17: {  	s4 =	simm.s32 $0x1BF5;
	[smem:$0x3FB7] =	sst s0  }
0x18: {  	s0 =	sld [smem:$0x3F9A];
	_ =	swait.ge [sflag:s4], $0x0  }
0x19: {  	s7 =	sld [smem:$0x3F9B]  }
0x1a: {  	s8 =	sadd.s32 $0xFFFFE003, lr  }
0x1b: {  	s9 =	sadd.s32 $0xFFFFFEF7, lr;
	s5 =	simm.s32 $0xFFFFFFFF;
	p2 =	slt.u32 s8, $0xFFFFF086  }
0x1c: {  	p1 =	slt.u32 s9, $0xF7A;
	s5 =	simm.s32 @!p2 $0x0  }
0x1d: {  	s5 =	simm.s32 @p1 $0x1;
	p0 =	seq.s32 s7, s2  }
0x1e: {  	s7 =	smul.u32 @!p0 $0xF7A, s2;
	p2 =	seq.s32 @!p0 s5, $0x0  }
0x1f: {  	s9 =	smul.u32 $0xF7A, s1;
	s8 =	simm.s32 @!p0 $0x1BF5;
	p2 =	por !p2, p0  }
0x20: {  	[sflag:s8] =	ssyncset.s32 @!p0 $0xFFFFF086;
	s6 =	sadd.s32 @!p0 s3, s7;
	s7 =	simm.s32 @!p0 $0x108  }
0x21: {  	s3 =	sadd.s32 s3, s9;
	s6 =	sadd.s32 @!p0 $0x88, s6;
	s7 =	simm.s32 @p2 $0x1082  }
0x22: {  	[simem:s7], [sflag:s8] =	dma.local @!p0 [hbm:s6], $0xF7A  }
0x23: {  	s9 =	sor.u32 $0xD0000000, s2;
	s6 =	simm.s32 $0x108;
	_ =	swait.ge @!p0 [sflag:s8], $0x0  }
0x24: {  	s3 =	sadd.s32 $0x88, s3;
	s6 =	simm.s32 @!p1 $0x1082;
	[sflag:s4] =	ssyncset.s32 $0xFFFFF086  }
0x25: {  	[simem:s6], [sflag:s4] =	dma.local [hbm:s3], $0xF7A  }
0x26: {  	[smem:$0x3F9B] =	sst s1;
	(tag) =	ssettag s2;
	_ =	strace s9  }
0x27: {  	s1 =	sld [smem:$0x3FAB]  }
0x28: {  	s2 =	sld [smem:$0x3FAC]  }
0x29: {  	s4 =	sld [smem:$0x3FAE]  }
0x2a: {  	p0 =	seq.s32 s5, $0x0;
	s5 =	sld [smem:$0x3FAF]  }
0x2b: {  	s6 =	sld [smem:$0x3FB0]  }
0x2c: {  	s7 =	sld [smem:$0x3FB1]  }
0x2d: {  	s3 =	simm.s32 $0x108;
	s8 =	sld [smem:$0x3FB2]  }
0x2e: {  	s3 =	simm.s32 @!p0 $0x1082;
	s9 =	sld [smem:$0x3FB3]  }
0x2f: {  	lr =	sadd.s32 s0, s3;
	s0 =	sld [smem:$0x3FAA]  }
0x30: {  	s3 =	sld [smem:$0x3FAD]  }
0x31: {  	[smem:$0x3FB6] =	sst s10  }
0x32: {  	s10 =	sld [smem:$0x3FB4];
	_ =	sdelay $0x3  }
0x33: {  	p0 =	seq.s32 s10, $0x1;
	s10 =	sld [smem:$0x3FB6];
	_ =	sdelay $0x3  }
0x34: {  	[smem:$0x3FB6] =	sst s10  }
0x35: {  	s10 =	sld [smem:$0x3FB5];
	_ =	sdelay $0x3  }
0x36: {  	p1 =	seq.s32 s10, $0x1;
	s10 =	sld [smem:$0x3FB6];
	_ =	sdelay $0x3  }
0x37: {  	[smem:$0x3FB6] =	sst s10  }
0x38: {  	s10 =	sld [smem:$0x3FB7]  }
0x39: {  	_ = 	snop;
	(pc) =	sbr.ind lr, $3  }
0x3a: {  	_ = 	snop  }
0x3b: {  	_ = 	snop  }
0x3c: {  	p2 =	seq.s32 s10, $0x1;
	s10 =	sld [smem:$0x3FB6]  }
0x3d: {  	_ =	shalt  }
0x3e: {  	_ =	shalt  }
0x3f: {  	_ =	shalt  }
0x40: {  	_ =	shalt  }
0x41: {  	_ =	shalt  }
0x42: {  	_ =	shalt  }
0x43: {  	_ =	shalt  }
0x44: {  	_ =	shalt  }
0x45: {  	_ =	shalt  }
0x46: {  	_ =	shalt  }
0x47: {  	_ =	shalt  }
0x48: {  	_ =	shalt  }
0x49: {  	_ =	shalt  }
0x4a: {  	_ =	shalt  }
0x4b: {  	_ =	shalt  }
0x4c: {  	_ =	shalt  }
0x4d: {  	_ =	shalt  }
0x4e: {  	_ =	shalt  }
0x4f: {  	_ =	shalt  }
0x50: {  	_ =	shalt  }
0x51: {  	_ =	shalt  }
0x52: {  	_ =	shalt  }
0x53: {  	_ =	shalt  }
0x54: {  	_ =	shalt  }
0x55: {  	_ =	shalt  }
0x56: {  	_ =	shalt  }
0x57: {  	_ =	shalt  }
0x58: {  	_ =	shalt  }
0x59: {  	_ =	shalt  }
0x5a: {  	_ =	shalt  }
0x5b: {  	_ =	shalt  }
0x5c: {  	_ =	shalt  }
0x5d: {  	_ =	shalt  }
0x5e: {  	_ =	shalt  }
0x5f: {  	_ =	shalt  }
0x60: {  	_ =	shalt  }
0x61: {  	_ =	shalt  }
0x62: {  	_ =	shalt  }
0x63: {  	_ =	shalt  }
0x64: {  	_ =	shalt  }
0x65: {  	_ =	shalt  }
0x66: {  	_ =	shalt  }
0x67: {  	_ =	shalt  }
0x68: {  	_ =	shalt  }
0x69: {  	_ =	shalt  }
0x6a: {  	_ =	shalt  }
0x6b: {  	_ =	shalt  }
0x6c: {  	_ =	shalt  }
0x6d: {  	_ =	shalt  }
0x6e: {  	_ =	shalt  }
0x6f: {  	_ =	shalt  }
0x70: {  	_ =	shalt  }
0x71: {  	_ =	shalt  }
0x72: {  	_ =	shalt  }
0x73: {  	_ =	shalt  }
0x74: {  	_ =	shalt  }
0x75: {  	_ =	shalt  }
0x76: {  	_ =	shalt  }
0x77: {  	_ =	shalt  }
0x78: {  	_ =	shalt  }
0x79: {  	_ =	shalt  }
0x7a: {  	_ =	shalt  }
0x7b: {  	_ =	shalt  }
0x7c: {  	_ =	shalt  }
0x7d: {  	_ =	shalt  }
0x7e: {  	_ =	shalt  }
0x7f: {  	_ =	shalt  }
0x80: {  	_ =	shalt  }
0x81: {  	_ =	shalt  }
0x82: {  	_ =	shalt  }
0x83: {  	_ =	shalt  }
0x84: {  	_ =	shalt  }
0x85: {  	_ =	shalt  }
0x86: {  	_ =	shalt  }
0x87: {  	_ =	shalt  }
.Lfunc_end0:
.L_simem_size_0:
called_computation.2_lowered:
.L_overlay_start_0:
0x88: {  	s2 =	sld [smem:$0x3FD9]  }
0x89: {  	s3 =	sld [smem:$0x3FFE];
	_ =	sdelay $0x1  }
0x8a: {  	s1 =	srdreg.scid  }
0x8b: {  	s0 =	sand.u32 $0x1, s1  }
0x8c: {  	s17 =	sshll.u32 s0, $0xA;
	s2 =	sadd.s32 s3, s2  }
0x8d: {  	s2 =	sadd.s32 s2, s17  }
0x8e: {  	[smem:$0x3FC2] =	sst s2  }
0x8f: {  	_ = 	snop  }
0x90: {  	s2 =	sld [smem:$0x3FD0];
	(tm) =	ssettm $0x1  }
0x91: {  	s18 =	sld [smem:$0x3FFB];
	_ =	sdelay $0x3  }
0x92: {  	_ =	strace s18  }
0x93: {  	s3 =	sld [smem:$0x3FFC];
	_ =	sdelay $0x3  }
0x94: {  	_ =	strace s3  }
0x95: {  	s3 =	sld [smem:$0x3FFD];
	_ =	sdelay $0x3  }
0x96: {  	_ =	strace s3  }
0x97: {  	_ =	strace $0x8FFFFFFF  }
0x98: {  	s19 =	sld [smem:$0x3FDB];
	_ =	sdelay $0x1  }
0x99: {  	s4 =	simm.s32 $_scs_section_size  }
0x9a: {  	s5 =	simm.s32 $_size__tile_overlayer_lowered;
	s6 =	simm.s32 $_tile_overlayer_lowered  }
0x9b: {  	s22 =	simm.s32 $0x1BFF;
	s21 =	sshll.u32 s6, $0x1;
	s3 =	sadd.s32 s4, s19  }
0x9c: {  	s7 =	simm.s32 $0x0;
	s20 =	sshll.u32 s5, $0x1;
	s5 =	sadd.s32 s21, s3  }
0x9d: {  	[timem:s7], [sflag:s22] =	dma.local [hbm:s5], s20  }
0x9e: {  	_ =	swait.ge [sflag:s22], s20  }
0x9f: {  	s4 =	ssub.s32 $0x0, s20;
	[sflag:s22] =	ssyncset.done $0x0  }
0xa0: {  	[sflag:s22] =	ssyncadd.s32 s4;
	_ =	sdelay $0x1  }
0xa1: {  	s23 =	simm.s32 $0x1B8B  }
0xa2: {  	_ =	swait.ge [sflag:s23], $0x1  }
0xa3: {  	[sflag:s23] =	ssyncset.done $0x0  }
0xa4: {  	s25 =	simm.s32 $0x1B8E;
	s24 =	sld [smem:$0x3FFE];
	[sflag:s23] =	ssyncadd.s32 $0xFFFFFFFF  }
0xa5: {  	s26 =	simm.s32 $execute0_lowered;
	[smem:$0x3FD2] =	sst s25  }
0xa6: {  	s5 =	sshll.u32 s26, $0x1;
	_ =	strace $0x8000004C;
	[dreg:$0x1] =	wrdreg $0xFFFFFFFF  }
0xa7: {  	s28 =	simm.s32 $_size_execute0_lowered;
	s3 =	sadd.s32 s3, s5;
	[dreg:$0x0] =	wrdreg $0x0  }
0xa8: {  	s5 =	sshll.u32 s28, $0x1;
	[dreg:$0x2] =	wrdreg s3  }
0xa9: {  	[dreg:$0x3] =	wrdreg s5  }
0xaa: {  	[dreg:$0x4] =	wrdreg $0xC0  }
0xab: {  	_ =	task [dreg:s7], $0x5FFFF  }
0xac: {  	[dreg:$0x1] =	wrdreg $0xFFFFFFFF  }
0xad: {  	[dreg:$0x0] =	wrdreg $0x60  }
0xae: {  	[dreg:$0x2] =	wrdreg s24  }
0xaf: {  	[dreg:$0x3] =	wrdreg s2  }
0xb0: {  	[dreg:$0x4] =	wrdreg $0x14A000  }
0xb1: {  	[dreg:$0x5] =	wrdreg $0x9  }
0xb2: {  	_ =	task.clear_ibuf [dreg:s7], $0x6FFFF;
	_ =	strace $0x9000004C  }
0xb3: {  	s29 =	simm.s32 $0x9;
	_ =	strace $0x8000004E  }
0xb4: {  	_ =	swait.ge [sflag:s29], $0x1  }
0xb5: {  	[sflag:s29] =	ssyncadd.s32 $0xFFFFFFFF  }
0xb6: {  	_ =	strace $0x9000004E  }
0xb7: {  	_ =	sfence  }
0xb8: {  	s30 =	sld [smem:$0x0];
	_ =	sdelay $0x2  }
0xb9: {  	s31 =	sshll.u32 s1, $0xD;
	s1 =	sshrl.u32 s1, $0x2  }
0xba: {  	s3 =	sand.u32 $0x4000, s31;
	s1 =	sadd.s32 s1, s30  }
0xbb: {  	s0 =	sor.u32 s3, s0;
	s1 =	sshll.u32 s1, $0x11  }
0xbc: {  	s0 =	sor.u32 s1, s0  }
0xbd: {  	s0 =	sadd.s32 $0x8F2B, s0  }
0xbe: {  	[sflag:s0] =	ssyncadd.remote.s32 $0x1  }
0xbf: {  	_ =	sfence.sel $0xFFFF  }
0xc0: {  	[dreg:$0x0] =	wrdreg $0xFFFFFFFF;
	(pc) =	sbr.abs _section_cstart, $3  }
0xc1: {  	[dreg:$0x1] =	wrdreg $0xFFFFFFFF  }
0xc2: {  	_ =	task.clear_ibuf [dreg:s7], $0x2FFFF;
	_ =	strace $0x9FFFFFFF  }
0xc3: {  	(tm) =	ssettm $0x7FFFFFFF  }
tec
execute0_lowered:
.L_overlay_start_1:
0x0: {  	(tag) =	ssettag $0x1  }
0x1: {  	s0 =	srdreg.scid;
	s1 =	rddreg [dreg:$0x0]  }
0x2: {  	s12 =	stileid.u32;
	s7 =	rddreg [dreg:$0x1]  }
0x3: {  	s10 =	simm.s32 $0x9;
	s14 =	simm.s32 $0x7D;
	s15 =	simm.s32 $0x5000  }
0x4: {  	s19 =	simm.s32 $0x8E80;
	s28 =	simm.s32 $0x10B80;
	s30 =	simm.s32 $0x12AC0  }
0x5: {  	s31 =	simm.s32 $0x1;
	s16 =	simm.s32 $0x8;
	s17 =	simm.s32 $0x0  }
0x6: {  	s0 =	sand.u32 $0x1, s0;
	s2 =	sshll.u32 s12, $0x1;
	s8 =	smul.u32 $0x9E00, s12  }
0x7: {  	s4 =	sadd.s32 $0x1FC00, s1;
	s29 =	sshll.u32 s12, $0x6;
	s3 =	sor.u32 s0, s2  }
0x8: {  	s2 =	rddreg [dreg:$0x2];
	s6 =	smul.u32 $0x9E000, s0;
	s0 =	ssub.s32 $0x2, s0  }
0x9: {  	s12 =	sor.u32 $0x1C09, s29;
	s5 =	smul.u32 $0x2800, s3;
	s3 =	simm.s32 $0x0  }
0xa: {  	s24 =	sshrl.u32 s0, $0x1;
	s11 =	sadd.s32 s8, s2;
	[smem:$0x7FF] =	sst s3  }
0xb: {  	s6 =	sadd.s32 s8, s6;
	s0 =	ssub.s32 s0, s24;
	s8 =	sshrl.u32 s8, $0x3  }
0xc: {  	s13 =	sshrl.u32 s11, $0x3;
	s11 =	simm.s32 $0x7;
	_ =	strace $0x8000004D  }
.Ltmp0:
0xd: {  	s5 =	sshrl.u32 s5, $0x3;
	s23 =	sshrl.u32 s6, $0x3;
	(pc) =	sbr.rel .LBB2_1-.Ltmp0, $4  }
0xe: {  	s7 =	sadd.s32 s7, s8;
	s9 =	sadd.s32 s5, s1;
	s1 =	sadd.s32 s23, s1  }
0xf: {  	s23 =	simm.s32 $0xCD00;
	s25 =	sadd.s32 $0xBC00, s9;
	s26 =	sadd.s32 $0x15C00, s9  }
0x10: {  	s8 =	sadd.s32 $0x33800, s1;
	s9 =	smax.u32 s0, $0x1;
	[dreg:$0x4] =	wrdreg s25  }
0x11: {  	s1 =	simm.s32 $0x3;
	s0 =	simm.s32 $0x5;
	[dreg:$0x5] =	wrdreg s26  }
.LBB2_4:
0x12: {  	_ =	swait.ge [sflag:s16], $0x1F40  }
0x13: {  	[sflag:s16] =	ssyncset.done $0x0  }
0x14: {  	[sflag:s16] =	ssyncadd.s32 $0xFFFFE0C0  }
0x15: {  	[spmem:s2] =	stream.indirect.scatter.add.f32 [tilespmem:s30], [sflag:$0x9], $0x40, s21, s14, $0xb8;
	[tilespmem:$0x1E800] =	vst v63  }
0x16: {  	_ =	swait.ge [sflag:s10], $0x1F40  }
0x17: {  	s17 =	sadd.s32 $0x1, s17;
	[sflag:s10] =	ssyncset.done $0x0  }
0x18: {  	p0 =	sne.s32 s17, s9;
	[sflag:s10] =	ssyncadd.s32 $0xFFFFE0C0  }
.Ltmp1:
0x19: {  	[bflag:$0x0] =	sbarrier.arrive $0xFFFF;
	(pc) =	sbr.rel @!p0 .LBB2_5-.Ltmp1, $4  }
0x1a: {  	[hbm:s8], [sflag:s12] =	dma.local [spmem:s13], $0x13C0  }
0x1b: {  	_ =	swait.ge [sflag:s10], $0x13C0  }
0x1c: {  	[sflag:s10] =	ssyncset.done $0x0  }
0x1d: {  	[sflag:s10] =	ssyncadd.s32 $0xFFFFEC40  }
.LBB2_1:
0x1e: {  	s5 =	rddreg [dreg:$0x4]  }
0x1f: {  	[tilespmem:s3], [sflag:$0x9] =	stream.linear.gather [hbm4b:s5+s3], $0x2800, $0x38;
	[tilespmem:$0x1E800] =	vst v63  }
0x20: {  	_ =	swait.ge [sflag:s10], $0x2800  }
0x21: {  	[sflag:s10] =	ssyncset.done $0x0  }
0x22: {  	s6 =	simm.s32 $0x2800;
	s25 =	rddreg [dreg:$0x5];
	[sflag:s10] =	ssyncadd.s32 $0xFFFFD800  }
0x23: {  	[tilespmem:s6], [sflag:$0x9] =	stream.linear.gather [hbm4b:s25+s3], $0x2800, $0x38;
	[tilespmem:$0x1E800] =	vst v63  }
0x24: {  	_ =	swait.ge [sflag:s10], $0x2800  }
0x25: {  	[sflag:s10] =	ssyncset.done $0x0  }
0x26: {  	[sflag:s10] =	ssyncadd.s32 $0xFFFFD800  }
0x27: {  	[spmem:s13], [sflag:s12] =	dma.local [hbm:s7], $0x13C0  }
0x28: {  	_ =	swait.ge [sflag:s10], $0x13C0  }
0x29: {  	[sflag:s10] =	ssyncset.done $0x0  }
0x2a: {  	[sflag:s10] =	ssyncadd.s32 $0xFFFFEC40  }
0x2b: {  	[bflag:$0x0] =	sbarrier.arrive $0xFFFF  }
0x2c: {  	[tilespmem:s15], [sflag:$0x1] =	stream.indirect.gather [hbm4b:s4+s14], $0x40, s3, s14, $0xb8;
	[tilespmem:$0x1E800] =	vst v63  }
0x2d: {  	s26 =	simm.s32 $0x80;
	s29 =	simm.s32 $0x6F40  }
0x2e: {  	[tilespmem:s29], [sflag:$0x2] =	stream.indirect.gather [hbm4b:s4+s14], $0x40, s26, s14, $0xb8;
	[tilespmem:$0x1E800] =	vst v63  }
0x2f: {  	s18 =	simm.s32 $0x100  }
0x30: {  	[tilespmem:s19], [sflag:$0x3] =	stream.indirect.gather [hbm4b:s4+s14], $0x40, s18, s14, $0xb8;
	[tilespmem:$0x1E800] =	vst v63  }
0x31: {  	s20 =	simm.s32 $0x180;
	s21 =	simm.s32 $0xADC0  }
0x32: {  	[tilespmem:s21], [sflag:$0x4] =	stream.indirect.gather [hbm4b:s4+s14], $0x40, s20, s14, $0xb8;
	[tilespmem:$0x1E800] =	vst v63  }
0x33: {  	s22 =	simm.s32 $0x200  }
0x34: {  	[tilespmem:s23], [sflag:$0x5] =	stream.indirect.gather [hbm4b:s4+s14], $0x40, s22, s14, $0xb8;
	[tilespmem:$0x1E800] =	vst v63  }
0x35: {  	s24 =	simm.s32 $0x280;
	s25 =	simm.s32 $0xEC40  }
0x36: {  	[tilespmem:s25], [sflag:$0x6] =	stream.indirect.gather [hbm4b:s4+s14], $0x40, s24, s14, $0xb8;
	[tilespmem:$0x1E800] =	vst v63  }
0x37: {  	s26 =	simm.s32 $0x300  }
0x38: {  	[tilespmem:s28], [sflag:$0x7] =	stream.indirect.gather [hbm4b:s4+s14], $0x40, s26, s14, $0xb8;
	[tilespmem:$0x1E800] =	vst v63  }
0x39: {  	s29 =	simm.s32 $0x380;
	s18 =	simm.s32 $0x0  }
0x3a: {  	[tilespmem:s30], [sflag:$0x8] =	stream.indirect.gather [hbm4b:s4+s14], $0x40, s29, s14, $0xb8;
	[tilespmem:$0x1E800] =	vst v63  }
.LBB2_2:
0x3b: {  	_ =	swait.ge [sflag:s31], $0x1F40  }
0x3c: {  	s20 =	sshra.s32 s18, $0x2;
	[sflag:s31] =	ssyncset.done $0x0  }
0x3d: {  	s21 =	sadd.s32 $0x2800, s20;
	[sflag:s31] =	ssyncadd.s32 $0xFFFFE0C0  }
0x3e: {  	[spmem:s2] =	stream.indirect.scatter.add.f32 [tilespmem:s15], [sflag:$0x9], $0x40, s21, s14, $0xb8;
	[tilespmem:$0x1E800] =	vst v63  }
0x3f: {  	_ =	swait.ge [sflag:s10], $0x1F40  }
0x40: {  	p0 =	seq.s32 s18, $0x9000;
	[sflag:s10] =	ssyncset.done $0x0  }
0x41: {  	s21 =	simm.s32 @p0 $0x2;
	[sflag:s10] =	ssyncadd.s32 $0xFFFFE0C0  }
0x42: {  	s24 =	sshra.s32 @p0 s18, $0x2;
	_ =	swait.ge @p0 [sflag:s21], $0x1F40  }
0x43: {  	s25 =	simm.s32 @p0 $0x7D;
	s22 =	simm.s32 @p0 $0x6F40;
	[sflag:s21] =	ssyncset.done @p0 $0x0  }
0x44: {  	s26 =	simm.s32 @p0 $0x9;
	[sflag:s21] =	ssyncadd.s32 @p0 $0xFFFFE0C0;
	s21 =	sadd.s32 @p0 $0x2880, s24  }
0x45: {  	[spmem:s2] =	stream.indirect.scatter.add.f32 @p0 [tilespmem:s22], [sflag:$0x9], $0x40, s21, s25, $0xb8;
	[tilespmem:$0x1E800] =	vst v63  }
0x46: {  	_ =	swait.ge @p0 [sflag:s26], $0x1F40  }
0x47: {  	s5 =	simm.s32 @!p0 $0x5000;
	s21 =	sshra.s32 @!p0 s18, $0x2;
	[sflag:s26] =	ssyncset.done @p0 $0x0  }
0x48: {  	s22 =	simm.s32 @!p0 $0x7D;
	s29 =	sadd.s32 @!p0 $0x400, s21;
	[sflag:s26] =	ssyncadd.s32 @p0 $0xFFFFE0C0  }
0x49: {  	[tilespmem:s5], [sflag:$0x1] =	stream.indirect.gather @!p0 [hbm4b:s4+s22], $0x40, s29, s22, $0xb8;
	[tilespmem:$0x1E800] =	vst v63  }
0x4a: {  	s5 =	simm.s32 @!p0 $0x2  }
0x4b: {  	_ =	swait.ge @!p0 [sflag:s5], $0x1F40  }
0x4c: {  	s6 =	simm.s32 @!p0 $0x6F40;
	[sflag:s5] =	ssyncset.done @!p0 $0x0  }
0x4d: {  	s29 =	simm.s32 @!p0 $0x9;
	[sflag:s5] =	ssyncadd.s32 @!p0 $0xFFFFE0C0;
	s5 =	sadd.s32 @!p0 $0x2880, s21  }
0x4e: {  	[spmem:s2] =	stream.indirect.scatter.add.f32 @!p0 [tilespmem:s6], [sflag:$0x9], $0x40, s5, s22, $0xb8;
	[tilespmem:$0x1E800] =	vst v63  }
0x4f: {  	_ =	swait.ge @!p0 [sflag:s29], $0x1F40  }
0x50: {  	[sflag:s29] =	ssyncset.done @!p0 $0x0  }
0x51: {  	s5 =	sadd.s32 @!p0 $0x480, s21;
	[sflag:s29] =	ssyncadd.s32 @!p0 $0xFFFFE0C0  }
0x52: {  	[tilespmem:s6], [sflag:$0x2] =	stream.indirect.gather @!p0 [hbm4b:s4+s22], $0x40, s5, s22, $0xb8;
	[tilespmem:$0x1E800] =	vst v63  }
0x53: {  	_ =	swait.ge [sflag:s1], $0x1F40  }
0x54: {  	[sflag:s1] =	ssyncset.done $0x0  }
0x55: {  	s6 =	sadd.s32 $0x2900, s20;
	[sflag:s1] =	ssyncadd.s32 $0xFFFFE0C0  }
0x56: {  	[spmem:s2] =	stream.indirect.scatter.add.f32 [tilespmem:s19], [sflag:$0x9], $0x40, s6, s14, $0xb8;
	[tilespmem:$0x1E800] =	vst v63  }
0x57: {  	_ =	swait.ge [sflag:s10], $0x1F40  }
0x58: {  	[sflag:s10] =	ssyncset.done $0x0  }
0x59: {  	s5 =	simm.s32 @p0 $0x4;
	[sflag:s10] =	ssyncadd.s32 $0xFFFFE0C0  }
0x5a: {  	_ =	swait.ge @p0 [sflag:s5], $0x1F40  }
0x5b: {  	[sflag:s5] =	ssyncset.done @p0 $0x0  }
0x5c: {  	s6 =	simm.s32 @p0 $0xADC0;
	[sflag:s5] =	ssyncadd.s32 @p0 $0xFFFFE0C0;
	s5 =	sadd.s32 @p0 $0x2980, s24  }
0x5d: {  	[spmem:s2] =	stream.indirect.scatter.add.f32 @p0 [tilespmem:s6], [sflag:$0x9], $0x40, s5, s25, $0xb8;
	[tilespmem:$0x1E800] =	vst v63  }
0x5e: {  	_ =	swait.ge @p0 [sflag:s26], $0x1F40  }
0x5f: {  	[sflag:s26] =	ssyncset.done @p0 $0x0  }
0x60: {  	s5 =	sadd.s32 @!p0 $0x500, s21;
	s6 =	simm.s32 @!p0 $0x8E80;
	[sflag:s26] =	ssyncadd.s32 @p0 $0xFFFFE0C0  }
0x61: {  	[tilespmem:s6], [sflag:$0x3] =	stream.indirect.gather @!p0 [hbm4b:s4+s22], $0x40, s5, s22, $0xb8;
	[tilespmem:$0x1E800] =	vst v63  }
0x62: {  	s5 =	simm.s32 @!p0 $0x4  }
0x63: {  	_ =	swait.ge @!p0 [sflag:s5], $0x1F40  }
0x64: {  	[sflag:s5] =	ssyncset.done @!p0 $0x0  }
0x65: {  	s6 =	simm.s32 @!p0 $0xADC0;
	[sflag:s5] =	ssyncadd.s32 @!p0 $0xFFFFE0C0;
	s5 =	sadd.s32 @!p0 $0x2980, s21  }
0x66: {  	[spmem:s2] =	stream.indirect.scatter.add.f32 @!p0 [tilespmem:s6], [sflag:$0x9], $0x40, s5, s22, $0xb8;
	[tilespmem:$0x1E800] =	vst v63  }
0x67: {  	_ =	swait.ge @!p0 [sflag:s29], $0x1F40  }
0x68: {  	[sflag:s29] =	ssyncset.done @!p0 $0x0  }
0x69: {  	s5 =	sadd.s32 @!p0 $0x580, s21;
	[sflag:s29] =	ssyncadd.s32 @!p0 $0xFFFFE0C0  }
0x6a: {  	[tilespmem:s6], [sflag:$0x4] =	stream.indirect.gather @!p0 [hbm4b:s4+s22], $0x40, s5, s22, $0xb8;
	[tilespmem:$0x1E800] =	vst v63  }
0x6b: {  	_ =	swait.ge [sflag:s0], $0x1F40  }
0x6c: {  	[sflag:s0] =	ssyncset.done $0x0  }
0x6d: {  	s6 =	sadd.s32 $0x2A00, s20;
	[sflag:s0] =	ssyncadd.s32 $0xFFFFE0C0  }
0x6e: {  	[spmem:s2] =	stream.indirect.scatter.add.f32 [tilespmem:s23], [sflag:$0x9], $0x40, s6, s14, $0xb8;
	[tilespmem:$0x1E800] =	vst v63  }
0x6f: {  	_ =	swait.ge [sflag:s10], $0x1F40  }
0x70: {  	[sflag:s10] =	ssyncset.done $0x0  }
0x71: {  	s5 =	simm.s32 @p0 $0x6;
	[sflag:s10] =	ssyncadd.s32 $0xFFFFE0C0  }
0x72: {  	_ =	swait.ge @p0 [sflag:s5], $0x1F40  }
0x73: {  	[sflag:s5] =	ssyncset.done @p0 $0x0  }
0x74: {  	s6 =	simm.s32 @p0 $0xEC40;
	[sflag:s5] =	ssyncadd.s32 @p0 $0xFFFFE0C0;
	s5 =	sadd.s32 @p0 $0x2A80, s24  }
0x75: {  	[spmem:s2] =	stream.indirect.scatter.add.f32 @p0 [tilespmem:s6], [sflag:$0x9], $0x40, s5, s25, $0xb8;
	[tilespmem:$0x1E800] =	vst v63  }
0x76: {  	_ =	swait.ge @p0 [sflag:s26], $0x1F40  }
0x77: {  	[sflag:s26] =	ssyncset.done @p0 $0x0  }
0x78: {  	s5 =	sadd.s32 @!p0 $0x600, s21;
	s6 =	simm.s32 @!p0 $0xCD00;
	[sflag:s26] =	ssyncadd.s32 @p0 $0xFFFFE0C0  }
0x79: {  	[tilespmem:s6], [sflag:$0x5] =	stream.indirect.gather @!p0 [hbm4b:s4+s22], $0x40, s5, s22, $0xb8;
	[tilespmem:$0x1E800] =	vst v63  }
0x7a: {  	s5 =	simm.s32 @!p0 $0x6  }
0x7b: {  	_ =	swait.ge @!p0 [sflag:s5], $0x1F40  }
0x7c: {  	[sflag:s5] =	ssyncset.done @!p0 $0x0  }
0x7d: {  	s6 =	simm.s32 @!p0 $0xEC40;
	[sflag:s5] =	ssyncadd.s32 @!p0 $0xFFFFE0C0;
	s5 =	sadd.s32 @!p0 $0x2A80, s21  }
0x7e: {  	[spmem:s2] =	stream.indirect.scatter.add.f32 @!p0 [tilespmem:s6], [sflag:$0x9], $0x40, s5, s22, $0xb8;
	[tilespmem:$0x1E800] =	vst v63  }
0x7f: {  	_ =	swait.ge @!p0 [sflag:s29], $0x1F40  }
0x80: {  	[sflag:s29] =	ssyncset.done @!p0 $0x0  }
0x81: {  	s5 =	sadd.s32 @!p0 $0x680, s21;
	[sflag:s29] =	ssyncadd.s32 @!p0 $0xFFFFE0C0  }
0x82: {  	[tilespmem:s6], [sflag:$0x6] =	stream.indirect.gather @!p0 [hbm4b:s4+s22], $0x40, s5, s22, $0xb8;
	[tilespmem:$0x1E800] =	vst v63  }
0x83: {  	_ =	swait.ge [sflag:s11], $0x1F40  }
0x84: {  	[sflag:s11] =	ssyncset.done $0x0  }
.Ltmp2:
0x85: {  	s29 =	sadd.s32 $0x2B00, s20;
	[sflag:s11] =	ssyncadd.s32 $0xFFFFE0C0;
	(pc) =	sbr.rel @p0 .LBB2_4-.Ltmp2, $4  }
0x86: {  	[spmem:s2] =	stream.indirect.scatter.add.f32 [tilespmem:s28], [sflag:$0x9], $0x40, s29, s14, $0xb8;
	[tilespmem:$0x1E800] =	vst v63  }
0x87: {  	_ =	swait.ge [sflag:s10], $0x1F40  }
0x88: {  	[sflag:s10] =	ssyncset.done $0x0  }
0x89: {  	s21 =	sadd.s32 $0x2B80, s20;
	[sflag:s10] =	ssyncadd.s32 $0xFFFFE0C0  }
0x8a: {  	s5 =	sadd.s32 $0x700, s20  }
0x8b: {  	[tilespmem:s28], [sflag:$0x7] =	stream.indirect.gather [hbm4b:s4+s14], $0x40, s5, s14, $0xb8;
	[tilespmem:$0x1E800] =	vst v63  }
0x8c: {  	_ =	swait.ge [sflag:s16], $0x1F40  }
0x8d: {  	[sflag:s16] =	ssyncset.done $0x0  }
0x8e: {  	[sflag:s16] =	ssyncadd.s32 $0xFFFFE0C0  }
0x8f: {  	[spmem:s2] =	stream.indirect.scatter.add.f32 [tilespmem:s30], [sflag:$0x9], $0x40, s21, s14, $0xb8;
	[tilespmem:$0x1E800] =	vst v63  }
.Ltmp3:
0x90: {  	_ = 	snop;
	(pc) =	sbr.rel .LBB2_2-.Ltmp3, $4  }
0x91: {  	_ =	swait.ge [sflag:s10], $0x1F40  }
0x92: {  	[sflag:s10] =	ssyncset.done $0x0  }
0x93: {  	s29 =	sadd.s32 $0x780, s20;
	s18 =	sadd.s32 $0x1000, s18;
	[sflag:s10] =	ssyncadd.s32 $0xFFFFE0C0  }
0x94: {  	[tilespmem:s30], [sflag:$0x8] =	stream.indirect.gather [hbm4b:s4+s14], $0x40, s29, s14, $0xb8;
	[tilespmem:$0x1E800] =	vst v63  }
.LBB2_5:
0x95: {  	_ =	sfence.sel $0x180000  }
0x96: {  	[bflag:$0x0] =	sbarrier.arrive $0xFFFF  }
0x97: {  	_ =	strace $0x9000004D  }
0x98: {  	s0 =	stileid.u32;
	[bflag:$0x2] =	sbarrier.arrive $0xFFFF  }
0x99: {  	p0 =	sne.s32 s0, $0x0;
	s0 =	rddreg [dreg:$0x3]  }
0x9a: {  	s0 =	sadd.s32 @!p0 $0x100000, s0  }
0x9b: {  	[sflag:s0] =	ssyncadd.tile.s32 @!p0 $0x1;
	_ =	shalt  }
.Lfunc_end2:
_tile_overlayer_lowered:
.L_overlay_start_2:
0x9c: {  	(tag) =	ssettag $0x2  }
0x9d: {  	s0 =	rddreg [dreg:$0x0];
	s2 =	stileid.u32  }
0x9e: {  	s1 =	rddreg [dreg:$0x1];
	p0 =	sne.s32 s2, $0x0  }
0x9f: {  	s3 =	rddreg [dreg:$0x2];
	[bflag:$0x3] =	sbarrier.arrive $0xFFFF;
	s2 =	simm.s32 @!p0 $0x1C09  }
0xa0: {  	[timem:s3], [sflag:s2] =	dma.local @!p0 [hbm:s0], s1  }
0xa1: {  	s0 =	simm.s32 @!p0 $0x9  }
0xa2: {  	_ =	swait.ge @!p0 [sflag:s0], s1  }
0xa3: {  	s1 =	ssub.s32 @!p0 $0x0, s1;
	[sflag:s0] =	ssyncset.done @!p0 $0x0  }
0xa4: {  	[sflag:s0] =	ssyncadd.s32 @!p0 s1  }
0xa5: {  	[bflag:$0x3] =	sbarrier.arrive $0xFFFF  }
0xa6: {  	_ =	shalt  }

// kernel: kernel.8.cloned.1.call-start
scs
__scs_entry_jumppad:
0x0: {  	(pc) =	sbr.rel $0x88, $3  }
0x1: {  	(tag) =	ssettag $0x0;
	lr =	simm.s32 $0x1  }
0x2: {  	[smem:$0x3F9B] =	sst lr;
	_ =	strace $0xD0000000  }
0x3: {  	_ = 	snop  }
0x4: {  	_ = 	snop  }
0x5: {  	_ = 	snop  }
0x6: {  	_ = 	snop  }
0x7: {  	_ = 	snop  }
__scs_overlays_trampoline_lowered:
0x8: {  	[smem:$0x3FAA] =	sst s0  }
0x9: {  	[smem:$0x3FAB] =	sst s1  }
0xa: {  	[smem:$0x3FAC] =	sst s2  }
0xb: {  	[smem:$0x3FAD] =	sst s3  }
0xc: {  	[smem:$0x3FAE] =	sst s4  }
0xd: {  	[smem:$0x3FAF] =	sst s5  }
0xe: {  	[smem:$0x3FB0] =	sst s6  }
0xf: {  	[smem:$0x3FB1] =	sst s7  }
0x10: {  	[smem:$0x3FB2] =	sst s8  }
0x11: {  	[smem:$0x3FB3] =	sst s9;
	s0 =	simm.s32 @!p0 $0x0  }
0x12: {  	s1 =	sld [smem:$0x3F99];
	s0 =	simm.s32 @p0 $0x1  }
0x13: {  	[smem:$0x3FB4] =	sst s0;
	s0 =	simm.s32 @!p1 $0x0  }
0x14: {  	s2 =	sld [smem:$0x3F98];
	s0 =	simm.s32 @p1 $0x1  }
0x15: {  	[smem:$0x3FB5] =	sst s0;
	s0 =	simm.s32 @!p2 $0x0  }
0x16: {  	s3 =	sld [smem:$0x3FDB];
	s0 =	simm.s32 @p2 $0x1  }
0x17: {  	s4 =	simm.s32 $0x1BF5;
	[smem:$0x3FB7] =	sst s0  }
0x18: {  	s0 =	sld [smem:$0x3F9A];
	_ =	swait.ge [sflag:s4], $0x0  }
0x19: {  	s7 =	sld [smem:$0x3F9B]  }
0x1a: {  	s8 =	sadd.s32 $0xFFFFE003, lr  }
0x1b: {  	s9 =	sadd.s32 $0xFFFFFEF7, lr;
	s5 =	simm.s32 $0xFFFFFFFF;
	p2 =	slt.u32 s8, $0xFFFFF086  }
0x1c: {  	p1 =	slt.u32 s9, $0xF7A;
	s5 =	simm.s32 @!p2 $0x0  }
0x1d: {  	s5 =	simm.s32 @p1 $0x1;
	p0 =	seq.s32 s7, s2  }
0x1e: {  	s7 =	smul.u32 @!p0 $0xF7A, s2;
	p2 =	seq.s32 @!p0 s5, $0x0  }
0x1f: {  	s9 =	smul.u32 $0xF7A, s1;
	s8 =	simm.s32 @!p0 $0x1BF5;
	p2 =	por !p2, p0  }
0x20: {  	[sflag:s8] =	ssyncset.s32 @!p0 $0xFFFFF086;
	s6 =	sadd.s32 @!p0 s3, s7;
	s7 =	simm.s32 @!p0 $0x108  }
0x21: {  	s3 =	sadd.s32 s3, s9;
	s6 =	sadd.s32 @!p0 $0x88, s6;
	s7 =	simm.s32 @p2 $0x1082  }
0x22: {  	[simem:s7], [sflag:s8] =	dma.local @!p0 [hbm:s6], $0xF7A  }
0x23: {  	s9 =	sor.u32 $0xD0000000, s2;
	s6 =	simm.s32 $0x108;
	_ =	swait.ge @!p0 [sflag:s8], $0x0  }
0x24: {  	s3 =	sadd.s32 $0x88, s3;
	s6 =	simm.s32 @!p1 $0x1082;
	[sflag:s4] =	ssyncset.s32 $0xFFFFF086  }
0x25: {  	[simem:s6], [sflag:s4] =	dma.local [hbm:s3], $0xF7A  }
0x26: {  	[smem:$0x3F9B] =	sst s1;
	(tag) =	ssettag s2;
	_ =	strace s9  }
0x27: {  	s1 =	sld [smem:$0x3FAB]  }
0x28: {  	s2 =	sld [smem:$0x3FAC]  }
0x29: {  	s4 =	sld [smem:$0x3FAE]  }
0x2a: {  	p0 =	seq.s32 s5, $0x0;
	s5 =	sld [smem:$0x3FAF]  }
0x2b: {  	s6 =	sld [smem:$0x3FB0]  }
0x2c: {  	s7 =	sld [smem:$0x3FB1]  }
0x2d: {  	s3 =	simm.s32 $0x108;
	s8 =	sld [smem:$0x3FB2]  }
0x2e: {  	s3 =	simm.s32 @!p0 $0x1082;
	s9 =	sld [smem:$0x3FB3]  }
0x2f: {  	lr =	sadd.s32 s0, s3;
	s0 =	sld [smem:$0x3FAA]  }
0x30: {  	s3 =	sld [smem:$0x3FAD]  }
0x31: {  	[smem:$0x3FB6] =	sst s10  }
0x32: {  	s10 =	sld [smem:$0x3FB4];
	_ =	sdelay $0x3  }
0x33: {  	p0 =	seq.s32 s10, $0x1;
	s10 =	sld [smem:$0x3FB6];
	_ =	sdelay $0x3  }
0x34: {  	[smem:$0x3FB6] =	sst s10  }
0x35: {  	s10 =	sld [smem:$0x3FB5];
	_ =	sdelay $0x3  }
0x36: {  	p1 =	seq.s32 s10, $0x1;
	s10 =	sld [smem:$0x3FB6];
	_ =	sdelay $0x3  }
0x37: {  	[smem:$0x3FB6] =	sst s10  }
0x38: {  	s10 =	sld [smem:$0x3FB7]  }
0x39: {  	_ = 	snop;
	(pc) =	sbr.ind lr, $3  }
0x3a: {  	_ = 	snop  }
0x3b: {  	_ = 	snop  }
0x3c: {  	p2 =	seq.s32 s10, $0x1;
	s10 =	sld [smem:$0x3FB6]  }
0x3d: {  	_ =	shalt  }
0x3e: {  	_ =	shalt  }
0x3f: {  	_ =	shalt  }
0x40: {  	_ =	shalt  }
0x41: {  	_ =	shalt  }
0x42: {  	_ =	shalt  }
0x43: {  	_ =	shalt  }
0x44: {  	_ =	shalt  }
0x45: {  	_ =	shalt  }
0x46: {  	_ =	shalt  }
0x47: {  	_ =	shalt  }
0x48: {  	_ =	shalt  }
0x49: {  	_ =	shalt  }
0x4a: {  	_ =	shalt  }
0x4b: {  	_ =	shalt  }
0x4c: {  	_ =	shalt  }
0x4d: {  	_ =	shalt  }
0x4e: {  	_ =	shalt  }
0x4f: {  	_ =	shalt  }
0x50: {  	_ =	shalt  }
0x51: {  	_ =	shalt  }
0x52: {  	_ =	shalt  }
0x53: {  	_ =	shalt  }
0x54: {  	_ =	shalt  }
0x55: {  	_ =	shalt  }
0x56: {  	_ =	shalt  }
0x57: {  	_ =	shalt  }
0x58: {  	_ =	shalt  }
0x59: {  	_ =	shalt  }
0x5a: {  	_ =	shalt  }
0x5b: {  	_ =	shalt  }
0x5c: {  	_ =	shalt  }
0x5d: {  	_ =	shalt  }
0x5e: {  	_ =	shalt  }
0x5f: {  	_ =	shalt  }
0x60: {  	_ =	shalt  }
0x61: {  	_ =	shalt  }
0x62: {  	_ =	shalt  }
0x63: {  	_ =	shalt  }
0x64: {  	_ =	shalt  }
0x65: {  	_ =	shalt  }
0x66: {  	_ =	shalt  }
0x67: {  	_ =	shalt  }
0x68: {  	_ =	shalt  }
0x69: {  	_ =	shalt  }
0x6a: {  	_ =	shalt  }
0x6b: {  	_ =	shalt  }
0x6c: {  	_ =	shalt  }
0x6d: {  	_ =	shalt  }
0x6e: {  	_ =	shalt  }
0x6f: {  	_ =	shalt  }
0x70: {  	_ =	shalt  }
0x71: {  	_ =	shalt  }
0x72: {  	_ =	shalt  }
0x73: {  	_ =	shalt  }
0x74: {  	_ =	shalt  }
0x75: {  	_ =	shalt  }
0x76: {  	_ =	shalt  }
0x77: {  	_ =	shalt  }
0x78: {  	_ =	shalt  }
0x79: {  	_ =	shalt  }
0x7a: {  	_ =	shalt  }
0x7b: {  	_ =	shalt  }
0x7c: {  	_ =	shalt  }
0x7d: {  	_ =	shalt  }
0x7e: {  	_ =	shalt  }
0x7f: {  	_ =	shalt  }
0x80: {  	_ =	shalt  }
0x81: {  	_ =	shalt  }
0x82: {  	_ =	shalt  }
0x83: {  	_ =	shalt  }
0x84: {  	_ =	shalt  }
0x85: {  	_ =	shalt  }
0x86: {  	_ =	shalt  }
0x87: {  	_ =	shalt  }
.Lfunc_end0:
.L_simem_size_0:
called_computation_lowered:
.L_overlay_start_0:
0x88: {  	s2 =	sld [smem:$0x3FD9]  }
0x89: {  	s3 =	sld [smem:$0x3FFE];
	_ =	sdelay $0x1  }
0x8a: {  	s1 =	srdreg.scid  }
0x8b: {  	s0 =	sand.u32 $0x1, s1  }
0x8c: {  	s17 =	sshll.u32 s0, $0xA;
	s2 =	sadd.s32 s3, s2  }
0x8d: {  	s2 =	sadd.s32 s2, s17  }
0x8e: {  	[smem:$0x3FC2] =	sst s2  }
0x8f: {  	_ = 	snop  }
0x90: {  	s2 =	sld [smem:$0x3FD0];
	(tm) =	ssettm $0x1  }
0x91: {  	s18 =	sld [smem:$0x3FFB];
	_ =	sdelay $0x3  }
0x92: {  	_ =	strace s18  }
0x93: {  	s3 =	sld [smem:$0x3FFC];
	_ =	sdelay $0x3  }
0x94: {  	_ =	strace s3  }
0x95: {  	s3 =	sld [smem:$0x3FFD];
	_ =	sdelay $0x3  }
0x96: {  	_ =	strace s3  }
0x97: {  	_ =	strace $0x8FFFFFFF  }
0x98: {  	s19 =	sld [smem:$0x3FDB];
	_ =	sdelay $0x1  }
0x99: {  	s4 =	simm.s32 $_scs_section_size  }
0x9a: {  	s5 =	simm.s32 $_size__tile_overlayer_lowered;
	s6 =	simm.s32 $_tile_overlayer_lowered  }
0x9b: {  	s22 =	simm.s32 $0x1BFF;
	s21 =	sshll.u32 s6, $0x1;
	s3 =	sadd.s32 s4, s19  }
0x9c: {  	s7 =	simm.s32 $0x0;
	s20 =	sshll.u32 s5, $0x1;
	s5 =	sadd.s32 s21, s3  }
0x9d: {  	[timem:s7], [sflag:s22] =	dma.local [hbm:s5], s20  }
0x9e: {  	_ =	swait.ge [sflag:s22], s20  }
0x9f: {  	s4 =	ssub.s32 $0x0, s20;
	[sflag:s22] =	ssyncset.done $0x0  }
0xa0: {  	[sflag:s22] =	ssyncadd.s32 s4;
	_ =	sdelay $0x1  }
0xa1: {  	s23 =	simm.s32 $0x1B8B  }
0xa2: {  	_ =	swait.ge [sflag:s23], $0x1  }
0xa3: {  	[sflag:s23] =	ssyncset.done $0x0  }
0xa4: {  	s25 =	simm.s32 $0x1B8E;
	s24 =	sld [smem:$0x3FFE];
	[sflag:s23] =	ssyncadd.s32 $0xFFFFFFFF  }
0xa5: {  	s26 =	simm.s32 $execute0_lowered;
	[smem:$0x3FD2] =	sst s25  }
0xa6: {  	s5 =	sshll.u32 s26, $0x1;
	_ =	strace $0x80000046;
	[dreg:$0x1] =	wrdreg $0xFFFFFFFF  }
0xa7: {  	s28 =	simm.s32 $_size_execute0_lowered;
	s3 =	sadd.s32 s3, s5;
	[dreg:$0x0] =	wrdreg $0x0  }
0xa8: {  	s5 =	sshll.u32 s28, $0x1;
	[dreg:$0x2] =	wrdreg s3  }
0xa9: {  	[dreg:$0x3] =	wrdreg s5  }
0xaa: {  	[dreg:$0x4] =	wrdreg $0xC0  }
0xab: {  	_ =	task [dreg:s7], $0x5FFFF  }
0xac: {  	[dreg:$0x1] =	wrdreg $0xFFFFFFFF  }
0xad: {  	[dreg:$0x0] =	wrdreg $0x60  }
0xae: {  	[dreg:$0x2] =	wrdreg s2  }
0xaf: {  	[dreg:$0x3] =	wrdreg s24  }
0xb0: {  	[dreg:$0x4] =	wrdreg $0x9  }
0xb1: {  	_ =	task.clear_ibuf [dreg:s7], $0x5FFFF;
	_ =	strace $0x90000046  }
0xb2: {  	s29 =	simm.s32 $0x9;
	_ =	strace $0x80000048  }
0xb3: {  	_ =	swait.ge [sflag:s29], $0x1  }
0xb4: {  	[sflag:s29] =	ssyncadd.s32 $0xFFFFFFFF  }
0xb5: {  	_ =	strace $0x90000048  }
0xb6: {  	_ =	sfence  }
0xb7: {  	s30 =	sld [smem:$0x0];
	_ =	sdelay $0x2  }
0xb8: {  	s31 =	sshll.u32 s1, $0xD;
	s1 =	sshrl.u32 s1, $0x2  }
0xb9: {  	s3 =	sand.u32 $0x4000, s31;
	s1 =	sadd.s32 s1, s30  }
0xba: {  	s0 =	sor.u32 s3, s0;
	s1 =	sshll.u32 s1, $0x11  }
0xbb: {  	s0 =	sor.u32 s1, s0  }
0xbc: {  	s0 =	sadd.s32 $0x8F2B, s0  }
0xbd: {  	[sflag:s0] =	ssyncadd.remote.s32 $0x1  }
0xbe: {  	_ =	sfence.sel $0xFFFF  }
0xbf: {  	[dreg:$0x0] =	wrdreg $0xFFFFFFFF;
	(pc) =	sbr.abs _section_cstart, $3  }
0xc0: {  	[dreg:$0x1] =	wrdreg $0xFFFFFFFF  }
0xc1: {  	_ =	task.clear_ibuf [dreg:s7], $0x2FFFF;
	_ =	strace $0x9FFFFFFF  }
0xc2: {  	(tm) =	ssettm $0x7FFFFFFF  }
0xc3: {  	_ =	shalt  }
tec
execute0_lowered:
.L_overlay_start_1:
0x0: {  	(tag) =	ssettag $0x1  }
0x1: {  	s1 =	srdreg.scid;
	s0 =	stileid.u32  }
0x2: {  	s3 =	rddreg [dreg:$0x0];
	s4 =	sand.u32 $0x1, s1;
	s30 =	sshll.u32 s0, $0x1  }
0x3: {  	s5 =	rddreg [dreg:$0x1];
	s6 =	sor.u32 s4, s30  }
0x4: {  	s2 =	simm.s32 $0x0;
	s4 =	ssub.s32 $0x2, s4;
	s7 =	smul.u32 $0x2710, s6  }
0x5: {  	[smem:$0x7FF] =	sst s2;
	s6 =	smul.u32 $0x4F0, s6;
	s8 =	sshrl.u32 s4, $0x1  }
0x6: {  	s1 =	rddreg [dreg:$0x2];
	_ =	strace $0x80000047;
	s31 =	ssub.s32 s4, s8  }
0x7: {  	s8 =	simm.s32 $0x0;
	s7 =	sshrl.u32 s7, $0x3;
	s5 =	sadd.s32 s6, s5  }
0x8: {  	s6 =	simm.s32 $0x2780;
	s3 =	sadd.s32 s3, s7;
	s4 =	sadd.s32 $0x1E00, s5  }
0x9: {  	v0 =	vimm.f32 $0.0e+00;
	v1 =	vimm.f32 $1.000000000e+00;
	s5 =	smax.u32 s31, $0x1;
	s7 =	simm.s32 $0x1;
	s3 =	sadd.s32 $0x9C40, s3  }
.LBB2_1:
0xa: {  	s9 =	simm.s32 $0x40;
	s10 =	simm.s32 $0x0  }
.LBB2_2:
0xb: {  	p0 =	sne.s32 s9, $0x9DC0;
	[tilespmem:s10+$0x0] =	vst v0;
	s10 =	smov.u32 s9;
	s9 =	sadd.s32 $0x40, s9  }
.Ltmp0:
0xc: {  	(pc) =	sbr.rel @p0 .LBB2_2-.Ltmp0, $2  }
0xd: {  	_ =	sdelay $0x2  }
0xe: {  	s10 =	sshra.s32 s10, $0x2  }
0xf: {  	[tilespmem:s10+$0x0] =	vst v0;
	s9 =	simm.s32 $0x0  }
0x10: {  	[tilespmem:s6], [sflag:$0x1] =	stream.linear.gather [hbm4b:s3+s9], $0x2710, $0x38;
	[tilespmem:$0x4E90] =	vst v63  }
0x11: {  	_ =	swait.ge [sflag:s7], $0x2710  }
0x12: {  	[sflag:s7] =	ssyncset.done $0x0  }
0x13: {  	s10 =	simm.s32 $0x0;
	s9 =	simm.s32 $0x40;
	[sflag:s7] =	ssyncadd.s32 $0xFFFFD8F0  }
.LBB2_4:
0x14: {  	p0 =	sne.s32 s9, $0x9C00;
	v2 =	vld [tilespmem:s10+$0x2780];
	_ =	sdelay $0x3  }
.Ltmp1:
0x15: {  	(pc) =	sbr.rel @p0 .LBB2_4-.Ltmp1, $2  }
0x16: {  	_ =	sdelay $0x2  }
0x17: {  	s10 =	sshra.s32 s9, $0x2;
	s9 =	sadd.s32 $0x40, s9;
	[tilespmem:v2+s2+$0x0] =	vst.idx.add.f32.msk $0xffff, v1  }
0x18: {  	v2 =	vld [tilespmem:s10+$0x2780];
	_ =	sdelay $0x5  }
0x19: {  	s8 =	sadd.s32 $0x1, s8  }
0x1a: {  	p0 =	sne.s32 s8, s5  }
.Ltmp2:
0x1b: {  	[tilespmem:v2+s2+$0x0] =	vst.idx.add.f32.msk $0xffff, v1;
	(pc) =	sbr.rel @p0 .LBB2_1-.Ltmp2, $4  }
0x1c: {  	[hbm4b:s4+s2] =	stream.linear.scatter [tilespmem:s2], [sflag:$0x1], $0x2780, $0x38;
	[tilespmem:$0x4E90] =	vst v63  }
0x1d: {  	_ =	swait.ge [sflag:s7], $0x2780  }
0x1e: {  	[sflag:s7] =	ssyncset.done $0x0  }
0x1f: {  	[sflag:s7] =	ssyncadd.s32 $0xFFFFD880  }
0x20: {  	_ =	sfence.sel $0x180000  }
0x21: {  	[bflag:$0x0] =	sbarrier.arrive $0xFFFF  }
0x22: {  	p0 =	sne.s32 s0, $0x0;
	_ =	strace $0x90000047  }
0x23: {  	s0 =	sadd.s32 @!p0 $0x100000, s1;
	[bflag:$0x2] =	sbarrier.arrive $0xFFFF  }
0x24: {  	[sflag:s0] =	ssyncadd.tile.s32 @!p0 $0x1;
	_ =	shalt  }
.Lfunc_end2:
_tile_overlayer_lowered:
.L_overlay_start_2:
0x25: {  	(tag) =	ssettag $0x2  }
0x26: {  	s0 =	rddreg [dreg:$0x0];
	s2 =	stileid.u32  }
0x27: {  	s1 =	rddreg [dreg:$0x1];
	p0 =	sne.s32 s2, $0x0  }
0x28: {  	s3 =	rddreg [dreg:$0x2];
	[bflag:$0x3] =	sbarrier.arrive $0xFFFF;
	s2 =	simm.s32 @!p0 $0x1C01  }
0x29: {  	[timem:s3], [sflag:s2] =	dma.local @!p0 [hbm:s0], s1  }
0x2a: {  	s0 =	simm.s32 @!p0 $0x1  }
0x2b: {  	_ =	swait.ge @!p0 [sflag:s0], s1  }
0x2c: {  	s1 =	ssub.s32 @!p0 $0x0, s1;
	[sflag:s0] =	ssyncset.done @!p0 $0x0  }
0x2d: {  	[sflag:s0] =	ssyncadd.s32 @!p0 s1  }
0x2e: {  	[bflag:$0x3] =	sbarrier.arrive $0xFFFF  }
0x2f: {  	_ =	shalt  }

</sc_bundles>
